<compile_context>
chip_gen: v7x
topology: tpu7x:2x2x1
jax: 0.10.2.dev20260603
libtpu: 0.0.44.dev20260713+nightly
codegen_flags: <defaults>
</compile_context>

<pallas_src>
import functools

import jax
import jax.numpy as jnp
from jax import lax
from jax.experimental import pallas as pl
from jax.experimental.pallas import tpu as pltpu
from jax.experimental.pallas import tpu_sc as plsc



def _embed_body(nodes_ref, we_ref, be_ref, out_ref):
    out_ref[...] = (
        jnp.dot(nodes_ref[...], we_ref[...], preferred_element_type=jnp.float32)
        + be_ref[...]
    )


def _mlp_body(x_ref, w1_ref, b1_ref, w2_ref, b2_ref, degs_ref, out_ref):
    h = jnp.dot(x_ref[...], w1_ref[...], preferred_element_type=jnp.float32)
    h = jnp.maximum(h + b1_ref[...], 0.0)
    h = jnp.dot(h, w2_ref[...], preferred_element_type=jnp.float32) + b2_ref[...]
    d = degs_ref[0] + degs_ref[1]
    inv = lax.rsqrt(d[:, 0:1] + 1.0)
    out_ref[...] = h * inv


def _update_body(x_ref, p_ref, hs_ref, degr_ref, lns_ref, lnb_ref, out_ref):
    msg = p_ref[0] + p_ref[1] + hs_ref[...]
    d = degr_ref[0] + degr_ref[1]
    inv = lax.rsqrt(d[:, 0:1] + 1.0)
    x = x_ref[...] + msg * inv
    mu = jnp.mean(x, axis=-1, keepdims=True)
    var = jnp.mean(jnp.square(x - mu), axis=-1, keepdims=True)
    out_ref[...] = (x - mu) * lax.rsqrt(var + 1e-6) * lns_ref[...] + lnb_ref[...]


def _pool_body(x_ref, seg_ref, cnt_ref, wd_ref, bd_ref, out_ref):
    pooled = jnp.dot(seg_ref[...], x_ref[...], preferred_element_type=jnp.float32)
    pooled = pooled / cnt_ref[...]
    out_ref[...] = (
        jnp.dot(pooled, wd_ref[...], preferred_element_type=jnp.float32)
        + bd_ref[...]
    )


def _row_grid_specs(N, R, D, extra_in):
    grid = (N // R,)
    in_specs = [pl.BlockSpec((R, D), lambda i: (i, 0))] + extra_in
    out_spec = pl.BlockSpec((R, D), lambda i: (i, 0))
    return grid, in_specs, out_spec


def _tc_embed(nodes, W_embed, b_embed, R):
    N, D = nodes.shape
    L = W_embed.shape[1]
    grid, in_specs, out_spec = _row_grid_specs(N, R, D, [
        pl.BlockSpec((D, L), lambda i: (0, 0)),
        pl.BlockSpec((1, L), lambda i: (0, 0)),
    ])
    return pl.pallas_call(
        _embed_body,
        grid=grid,
        in_specs=in_specs,
        out_specs=out_spec,
        out_shape=jax.ShapeDtypeStruct((N, L), jnp.float32),
    )(nodes, W_embed, b_embed)


def _tc_mlp(x, W1, b1, W2, b2, deg_s, R):
    N, L = x.shape
    W = deg_s.shape[-1]
    grid, in_specs, out_spec = _row_grid_specs(N, R, L, [
        pl.BlockSpec((L, L), lambda i: (0, 0)),
        pl.BlockSpec((1, L), lambda i: (0, 0)),
        pl.BlockSpec((L, L), lambda i: (0, 0)),
        pl.BlockSpec((1, L), lambda i: (0, 0)),
        pl.BlockSpec((2, R, W), lambda i: (0, i, 0)),
    ])
    return pl.pallas_call(
        _mlp_body,
        grid=grid,
        in_specs=in_specs,
        out_specs=out_spec,
        out_shape=jax.ShapeDtypeStruct((N, L), jnp.float32),
    )(x, W1, b1, W2, b2, deg_s)


def _tc_update(x, p, hs, deg_r, ln_scale, ln_bias, R):
    N, L = x.shape
    W = deg_r.shape[-1]
    grid, in_specs, out_spec = _row_grid_specs(N, R, L, [
        pl.BlockSpec((2, R, L), lambda i: (0, i, 0)),
        pl.BlockSpec((R, L), lambda i: (i, 0)),
        pl.BlockSpec((2, R, W), lambda i: (0, i, 0)),
        pl.BlockSpec((1, L), lambda i: (0, 0)),
        pl.BlockSpec((1, L), lambda i: (0, 0)),
    ])
    return pl.pallas_call(
        _update_body,
        grid=grid,
        in_specs=in_specs,
        out_specs=out_spec,
        out_shape=jax.ShapeDtypeStruct((N, L), jnp.float32),
    )(x, p, hs, deg_r, ln_scale, ln_bias)


def _tc_pool(x, seg, cnt, W_dec, b_dec):
    N, L = x.shape
    G = seg.shape[0]
    OG = W_dec.shape[1]
    return pl.pallas_call(
        _pool_body,
        in_specs=[
            pl.BlockSpec((N, L), lambda: (0, 0)),
            pl.BlockSpec((G, N), lambda: (0, 0)),
            pl.BlockSpec((G, 1), lambda: (0, 0)),
            pl.BlockSpec((L, OG), lambda: (0, 0)),
            pl.BlockSpec((1, OG), lambda: (0, 0)),
        ],
        out_specs=pl.BlockSpec((G, OG), lambda: (0, 0)),
        out_shape=jax.ShapeDtypeStruct((G, OG), jnp.float32),
    )(x, seg, cnt, W_dec, b_dec)



_DEGW = 8
_C = 128


def _edge_layout(E):
    info = plsc.get_sparse_core_info()
    NW = info.num_cores * info.num_subcores
    per = -(-E // (NW * _C)) * _C
    return NW, per // _C + 2


def _build_edge_chunks(idx, padval, NW, NCHT):
    E = idx.shape[0]
    per_real = (NCHT - 2) * _C
    pad = NW * per_real - E
    full = jnp.concatenate([idx, jnp.full((pad,), padval, idx.dtype)])
    x3 = full.reshape(NW, NCHT - 2, _C)
    dum = jnp.full((NW, 2, _C), padval, idx.dtype)
    return jnp.concatenate([x3, dum], axis=1).reshape(NW * NCHT, _C)


@functools.lru_cache(maxsize=None)
def _make_deg(N, E):
    info = plsc.get_sparse_core_info()
    NC, NS = info.num_cores, info.num_subcores
    NW, NCH = _edge_layout(E)
    C = _C
    NPAD = N + 8
    R0 = (N // NS) & ~7
    rem = N - NS * R0

    mesh = plsc.VectorSubcoreMesh(core_axis_name="c", subcore_axis_name="s")

    @functools.partial(
        pl.kernel,
        mesh=mesh,
        compiler_params=pltpu.CompilerParams(use_tc_tiling_on_sc=False),
        out_type=(
            jax.ShapeDtypeStruct((NC * N, _DEGW), jnp.float32),
            jax.ShapeDtypeStruct((NC * N, _DEGW), jnp.float32),
        ),
        scratch_types=[
            pltpu.VMEM_SHARED((NPAD, _DEGW), jnp.float32),
            pltpu.VMEM_SHARED((NPAD, _DEGW), jnp.float32),
            pltpu.VMEM((NCH, C), jnp.int32),
            pltpu.VMEM((NCH, C), jnp.int32),
            pltpu.VMEM((C, _DEGW), jnp.float32),
            pltpu.SemaphoreType.DMA,
        ],
    )
    def deg(send_hbm, recv_hbm, zeros_hbm, ones_hbm, outs_hbm, outr_hbm,
            accs_sh, accr_sh, sidx_all, ridx_all, ones_v, sem):
        c = lax.axis_index("c")
        s = lax.axis_index("s")
        wid = c * NS + s
        pltpu.sync_copy(zeros_hbm.at[pl.ds(s * R0, R0)],
                        accs_sh.at[pl.ds(s * R0, R0)])
        pltpu.sync_copy(zeros_hbm.at[pl.ds(s * R0, R0)],
                        accr_sh.at[pl.ds(s * R0, R0)])
        if rem:
            @pl.when(s == NS - 1)
            def _():
                pltpu.sync_copy(zeros_hbm.at[pl.ds(NS * R0, rem)],
                                accs_sh.at[pl.ds(NS * R0, rem)])
                pltpu.sync_copy(zeros_hbm.at[pl.ds(NS * R0, rem)],
                                accr_sh.at[pl.ds(NS * R0, rem)])
        pltpu.sync_copy(send_hbm.at[pl.ds(wid * NCH, NCH)], sidx_all)
        pltpu.sync_copy(recv_hbm.at[pl.ds(wid * NCH, NCH)], ridx_all)
        pltpu.sync_copy(ones_hbm, ones_v)
        plsc.subcore_barrier()

        def fire(j, carry):
            pltpu.async_copy(ones_v, accs_sh.at[sidx_all.at[j]], sem, add=True)
            pltpu.async_copy(ones_v, accr_sh.at[ridx_all.at[j]], sem, add=True)
            return carry

        lax.fori_loop(0, NCH, fire, 0)

        def drain(j, carry):
            pltpu.make_async_copy(ones_v, accs_sh.at[sidx_all.at[j]], sem).wait()
            pltpu.make_async_copy(ones_v, accr_sh.at[ridx_all.at[j]], sem).wait()
            return carry

        lax.fori_loop(0, NCH, drain, 0)
        plsc.subcore_barrier()
        pltpu.sync_copy(accs_sh.at[pl.ds(s * R0, R0)],
                        outs_hbm.at[pl.ds(c * N + s * R0, R0)])
        pltpu.sync_copy(accr_sh.at[pl.ds(s * R0, R0)],
                        outr_hbm.at[pl.ds(c * N + s * R0, R0)])
        if rem:
            @pl.when(s == NS - 1)
            def _():
                pltpu.sync_copy(accs_sh.at[pl.ds(NS * R0, rem)],
                                outs_hbm.at[pl.ds(c * N + NS * R0, rem)])
                pltpu.sync_copy(accr_sh.at[pl.ds(NS * R0, rem)],
                                outr_hbm.at[pl.ds(c * N + NS * R0, rem)])

    return deg


@functools.lru_cache(maxsize=None)
def _make_conv(N, D, E):
    info = plsc.get_sparse_core_info()
    NC, NS = info.num_cores, info.num_subcores
    NW = NC * NS
    EPW = E // NW
    C = 128
    nfull = EPW // C
    tail = EPW - nfull * C
    R0 = (N // NS) & ~7
    rem = N - NS * R0

    mesh = plsc.VectorSubcoreMesh(core_axis_name="c", subcore_axis_name="s")

    @functools.partial(
        pl.kernel,
        mesh=mesh,
        out_type=jax.ShapeDtypeStruct((NC * N, D), jnp.float32),
        scratch_types=[
            pltpu.VMEM_SHARED((N, D), jnp.float32),
            pltpu.VMEM((C,), jnp.int32),
            pltpu.VMEM((C,), jnp.int32),
            pltpu.VMEM((C, D), jnp.float32),
            pltpu.VMEM((max(tail, 8),), jnp.int32),
            pltpu.VMEM((max(tail, 8),), jnp.int32),
            pltpu.VMEM((max(tail, 8), D), jnp.float32),
            pltpu.SemaphoreType.DMA,
        ],
    )
    def conv(hs_hbm, send_hbm, recv_hbm, zeros_hbm, out_hbm,
             acc_sh, sidx, ridx, rows, sidx_t, ridx_t, rows_t, sem):
        c = lax.axis_index("c")
        s = lax.axis_index("s")
        wid = c * NS + s
        pltpu.sync_copy(zeros_hbm.at[pl.ds(s * R0, R0)],
                        acc_sh.at[pl.ds(s * R0, R0)])
        if rem:
            @pl.when(s == NS - 1)
            def _():
                pltpu.sync_copy(zeros_hbm.at[pl.ds(NS * R0, rem)],
                                acc_sh.at[pl.ds(NS * R0, rem)])
        plsc.subcore_barrier()
        ebase = wid * EPW

        def body(j, carry):
            base = ebase + j * C
            pltpu.sync_copy(send_hbm.at[pl.ds(base, C)], sidx)
            pltpu.sync_copy(recv_hbm.at[pl.ds(base, C)], ridx)
            pltpu.async_copy(hs_hbm.at[sidx], rows, sem).wait()
            pltpu.sync_copy(rows, acc_sh.at[ridx], add=True)
            return carry

        lax.fori_loop(0, nfull, body, 0)
        if tail:
            base = ebase + nfull * C
            pltpu.sync_copy(send_hbm.at[pl.ds(base, tail)], sidx_t)
            pltpu.sync_copy(recv_hbm.at[pl.ds(base, tail)], ridx_t)
            pltpu.async_copy(hs_hbm.at[sidx_t], rows_t, sem).wait()
            pltpu.sync_copy(rows_t, acc_sh.at[ridx_t], add=True)
        plsc.subcore_barrier()
        pltpu.sync_copy(acc_sh.at[pl.ds(s * R0, R0)],
                        out_hbm.at[pl.ds(c * N + s * R0, R0)])
        if rem:
            @pl.when(s == NS - 1)
            def _():
                pltpu.sync_copy(acc_sh.at[pl.ds(NS * R0, rem)],
                                out_hbm.at[pl.ds(c * N + NS * R0, rem)])

    return conv



_STEPS = 2
_ROWS = 2000


def kernel(nodes, senders, receivers, n_node, W_embed, b_embed, W1, b1, W2, b2,
           ln_scale, ln_bias, W_dec, b_dec):
    N, D = nodes.shape
    L = W_embed.shape[1]
    E = senders.shape[0]
    G = n_node.shape[0]
    OG = W_dec.shape[1]

    b_embed2 = b_embed.reshape(1, L)
    b12 = b1.reshape(1, L)
    b22 = b2.reshape(1, L)
    lns2 = ln_scale.reshape(1, L)
    lnb2 = ln_bias.reshape(1, L)
    b_dec2 = b_dec.reshape(1, OG)

    x = _tc_embed(nodes, W_embed, b_embed2, _ROWS)

    NW, NCHT = _edge_layout(E)
    send_deg = _build_edge_chunks(senders, N, NW, NCHT)
    recv_deg = _build_edge_chunks(receivers, N, NW, NCHT)
    zeros_deg = jnp.zeros((N, _DEGW), jnp.float32)
    ones_w = jnp.ones((_C, _DEGW), jnp.float32)
    deg_fn = _make_deg(N, E)
    deg_s, deg_r = deg_fn(send_deg, recv_deg, zeros_deg, ones_w)
    info = plsc.get_sparse_core_info()
    NC = info.num_cores
    deg_s = deg_s.reshape(NC, N, _DEGW)
    deg_r = deg_r.reshape(NC, N, _DEGW)

    zeros_nd = jnp.zeros((N, D), jnp.float32)
    conv_fn = _make_conv(N, D, E)
    for _ in range(_STEPS):
        hs = _tc_mlp(x, W1, b12, W2, b22, deg_s, _ROWS)
        p = conv_fn(hs, senders, receivers, zeros_nd).reshape(NC, N, D)
        x = _tc_update(x, p, hs, deg_r, lns2, lnb2, _ROWS)

    graph_idx = jnp.repeat(jnp.arange(G, dtype=jnp.int32), n_node, axis=0,
                           total_repeat_length=N)
    seg = (graph_idx[None, :] == jnp.arange(G, dtype=jnp.int32)[:, None]
           ).astype(jnp.float32)
    cnt = jnp.maximum(n_node.astype(jnp.float32), 1.0).reshape(G, 1)
    return _tc_pool(x, seg, cnt, W_dec, b_dec2)

# --- scband reference (transcript-rebuilt; emitter-appended) ---
"""Pipeline reference for scband-qgraph-conv-net-2602750181802 (READ-ONLY COPY).

The authoritative reference and input builder live on the scoring server;
editing this copy changes nothing except your own understanding.
"""

import jax, jax.numpy as jnp
import numpy as np

N, E, D, L, G, OG = 10000, 320000, 128, 128, 8, 64
STEPS = 2


def setup_inputs(seed: int = 0) -> dict:
    key = jax.random.key(seed)
    ks = jax.random.split(key, 8)
    nodes = jax.random.normal(ks[0], (N, D), dtype=jnp.float32)
    senders = jax.random.randint(ks[1], (E,), 0, N, dtype=jnp.int32)
    receivers = jax.random.randint(ks[2], (E,), 0, N, dtype=jnp.int32)
    n_node = jnp.full((G,), N // G, dtype=jnp.int32)
    W_embed = jax.random.normal(ks[3], (D, L), dtype=jnp.float32) * (1.0 / np.sqrt(D))
    b_embed = jnp.zeros((L,), dtype=jnp.float32)
    W1 = jax.random.normal(ks[4], (L, L), dtype=jnp.float32) * (1.0 / np.sqrt(L))
    b1 = jnp.zeros((L,), dtype=jnp.float32)
    W2 = jax.random.normal(ks[5], (L, L), dtype=jnp.float32) * (1.0 / np.sqrt(L))
    b2 = jnp.zeros((L,), dtype=jnp.float32)
    ln_scale = jnp.ones((L,), dtype=jnp.float32)
    ln_bias = jnp.zeros((L,), dtype=jnp.float32)
    W_dec = jax.random.normal(ks[6], (L, OG), dtype=jnp.float32) * (1.0 / np.sqrt(L))
    b_dec = jnp.zeros((OG,), dtype=jnp.float32)
    return {"nodes": nodes, "senders": senders, "receivers": receivers, "n_node": n_node,
            "W_embed": W_embed, "b_embed": b_embed, "W1": W1, "b1": b1, "W2": W2, "b2": b2,
            "ln_scale": ln_scale, "ln_bias": ln_bias, "W_dec": W_dec, "b_dec": b_dec}


def reference(nodes, senders, receivers, n_node, W_embed, b_embed, W1, b1, W2, b2, ln_scale, ln_bias, W_dec, b_dec):
    n = nodes.shape[0]
    # embedder: GraphMapFeatures(embed_node_fn=Dense(latent_size))
    x = jnp.dot(nodes, W_embed) + b_embed
    # shared node_fn (QMLP approximated as classical MLP; deterministic=True so no dropout)
    def node_fn(h):
        h = jnp.dot(h, W1) + b1
        h = jax.nn.relu(h)
        h = jnp.dot(h, W2) + b2
        return h
    # GraphConvolution with add_self_edges=True and symmetric normalization (jraph semantics)
    self_idx = jnp.arange(n, dtype=senders.dtype)
    conv_s = jnp.concatenate([senders, self_idx], axis=0)
    conv_r = jnp.concatenate([receivers, self_idx], axis=0)
    ones = jnp.ones(conv_s.shape, dtype=x.dtype)
    send_deg = jax.ops.segment_sum(ones, conv_s, num_segments=n)
    recv_deg = jax.ops.segment_sum(ones, conv_r, num_segments=n)
    inv_sqrt_s = jax.lax.rsqrt(jnp.maximum(send_deg, 1.0))[:, None]
    inv_sqrt_r = jax.lax.rsqrt(jnp.maximum(recv_deg, 1.0))[:, None]
    for _ in range(STEPS):
        h = node_fn(x)
        h = h * inv_sqrt_s
        h = jax.ops.segment_sum(h[conv_s], conv_r, num_segments=n)
        h = h * inv_sqrt_r
        x = x + h  # skip connection (add_graphs_tuples)
        # shared LayerNorm
        mu = jnp.mean(x, axis=-1, keepdims=True)
        var = jnp.mean(jnp.square(x - mu), axis=-1, keepdims=True)
        x = (x - mu) * jax.lax.rsqrt(var + 1e-6) * ln_scale + ln_bias
    # pool: segment_mean over graphs
    n_graph = n_node.shape[0]
    graph_idx = jnp.repeat(jnp.arange(n_graph), n_node, axis=0, total_repeat_length=n)
    summed = jax.ops.segment_sum(x, graph_idx, num_segments=n_graph)
    counts = jax.ops.segment_sum(jnp.ones((n,), dtype=x.dtype), graph_idx, num_segments=n_graph)
    pooled = summed / jnp.maximum(counts, 1.0)[:, None]
    # decoder: GraphMapFeatures(embed_global_fn=Dense(output_globals_size))
    out = jnp.dot(pooled, W_dec) + b_dec
    return out

if __name__ == "__main__":
    import jax
    _d = setup_inputs()
    print(jax.jit(kernel)(*tuple(_d.values())))

</pallas_src>

<mosaic_0001>
#map = affine_map<(d0, d1) -> (0, 0)>
module attributes {stable_mosaic.version = 14 : i64} {
  func.func @deg(%arg0: i32, %arg1: i32, %arg2: memref<2592x128xi32, #tpu.memory_space<hbm>>, %arg3: memref<2592x128xi32, #tpu.memory_space<hbm>>, %arg4: memref<10000x8xf32, #tpu.memory_space<hbm>>, %arg5: memref<128x8xf32, #tpu.memory_space<hbm>>, %arg6: memref<20000x8xf32, #tpu.memory_space<hbm>>, %arg7: memref<20000x8xf32, #tpu.memory_space<hbm>>, %arg8: memref<10008x8xf32, #tpu.memory_space<vmem_shared>>, %arg9: memref<10008x8xf32, #tpu.memory_space<vmem_shared>>, %arg10: memref<81x128xi32, #tpu.memory_space<vmem>>, %arg11: memref<81x128xi32, #tpu.memory_space<vmem>>, %arg12: memref<128x8xf32, #tpu.memory_space<vmem>>, %arg13: memref<!tpu.dma_semaphore, #tpu.memory_space<semaphore_mem>>) attributes {dimension_semantics = [#tpu.dimension_semantics<core_parallel>, #tpu.dimension_semantics<subcore_parallel>], iteration_bounds = array<i64: 2, 16>, scalar_prefetch = 0 : i64, scratch_operands = 6 : i64, tpu.core_type = #tpu.core_type<sc_vector_subcore>, window_params = [{transform_indices = #map}, {transform_indices = #map}, {transform_indices = #map}, {transform_indices = #map}, {transform_indices = #map}, {transform_indices = #map}]} {
    %mul3A = arith.constant 16 : i32
    %mul3A_0 = arith.muli %arg0, %mul3A : i32
    %add3A = arith.addi %mul3A_0, %arg1 : i32
    %mul3A_1 = arith.constant 624 : i32
    %mul3A_2 = arith.muli %arg1, %mul3A_1 : i32
    %mul3A_3 = arith.constant 624 : i32
    %mul3A_4 = arith.muli %arg1, %mul3A_3 : i32
    "tpu.region"() ({
      %run_scoped3A = tpu.sem_alloc : memref<!tpu.dma_semaphore, #tpu.memory_space<semaphore_mem>>
      %dma_start3A = arith.constant 0 : i32
      %dma_start3A_46 = tpu.memref_slice %arg8[%mul3A_4, %dma_start3A] : memref<10008x8xf32, #tpu.memory_space<vmem_shared>> -> memref<624x8xf32, #tpu.memory_space<vmem_shared>>
      %dma_start3A_47 = arith.constant 0 : i32
      %dma_start3A_48 = tpu.memref_slice %arg4[%mul3A_2, %dma_start3A_47] : memref<10000x8xf32, #tpu.memory_space<hbm>> -> memref<624x8xf32, #tpu.memory_space<hbm>>
      tpu.enqueue_dma source(%dma_start3A_48 : memref<624x8xf32, #tpu.memory_space<hbm>>) target(%dma_start3A_46 : memref<624x8xf32, #tpu.memory_space<vmem_shared>>) target_semaphore(%run_scoped3A : memref<!tpu.dma_semaphore, #tpu.memory_space<semaphore_mem>>)
      %dma_wait3A = arith.constant 0 : i32
      %dma_wait3A_49 = tpu.memref_slice %arg8[%mul3A_4, %dma_wait3A] : memref<10008x8xf32, #tpu.memory_space<vmem_shared>> -> memref<624x8xf32, #tpu.memory_space<vmem_shared>>
      %dma_wait3A_50 = arith.constant 0 : i32
      %dma_wait3A_51 = tpu.memref_slice %arg4[%mul3A_2, %dma_wait3A_50] : memref<10000x8xf32, #tpu.memory_space<hbm>> -> memref<624x8xf32, #tpu.memory_space<hbm>>
      tpu.wait_dma2 semaphore(%run_scoped3A : memref<!tpu.dma_semaphore, #tpu.memory_space<semaphore_mem>>) src(%dma_wait3A_51 : memref<624x8xf32, #tpu.memory_space<hbm>>) dst(%dma_wait3A_49 : memref<624x8xf32, #tpu.memory_space<vmem_shared>>)
      tpu.yield
    }) : () -> ()
    %mul3A_5 = arith.constant 624 : i32
    %mul3A_6 = arith.muli %arg1, %mul3A_5 : i32
    %mul3A_7 = arith.constant 624 : i32
    %mul3A_8 = arith.muli %arg1, %mul3A_7 : i32
    "tpu.region"() ({
      %run_scoped3A = tpu.sem_alloc : memref<!tpu.dma_semaphore, #tpu.memory_space<semaphore_mem>>
      %dma_start3A = arith.constant 0 : i32
      %dma_start3A_46 = tpu.memref_slice %arg9[%mul3A_8, %dma_start3A] : memref<10008x8xf32, #tpu.memory_space<vmem_shared>> -> memref<624x8xf32, #tpu.memory_space<vmem_shared>>
      %dma_start3A_47 = arith.constant 0 : i32
      %dma_start3A_48 = tpu.memref_slice %arg4[%mul3A_6, %dma_start3A_47] : memref<10000x8xf32, #tpu.memory_space<hbm>> -> memref<624x8xf32, #tpu.memory_space<hbm>>
      tpu.enqueue_dma source(%dma_start3A_48 : memref<624x8xf32, #tpu.memory_space<hbm>>) target(%dma_start3A_46 : memref<624x8xf32, #tpu.memory_space<vmem_shared>>) target_semaphore(%run_scoped3A : memref<!tpu.dma_semaphore, #tpu.memory_space<semaphore_mem>>)
      %dma_wait3A = arith.constant 0 : i32
      %dma_wait3A_49 = tpu.memref_slice %arg9[%mul3A_8, %dma_wait3A] : memref<10008x8xf32, #tpu.memory_space<vmem_shared>> -> memref<624x8xf32, #tpu.memory_space<vmem_shared>>
      %dma_wait3A_50 = arith.constant 0 : i32
      %dma_wait3A_51 = tpu.memref_slice %arg4[%mul3A_6, %dma_wait3A_50] : memref<10000x8xf32, #tpu.memory_space<hbm>> -> memref<624x8xf32, #tpu.memory_space<hbm>>
      tpu.wait_dma2 semaphore(%run_scoped3A : memref<!tpu.dma_semaphore, #tpu.memory_space<semaphore_mem>>) src(%dma_wait3A_51 : memref<624x8xf32, #tpu.memory_space<hbm>>) dst(%dma_wait3A_49 : memref<624x8xf32, #tpu.memory_space<vmem_shared>>)
      tpu.yield
    }) : () -> ()
    %eq3A = arith.constant 15 : i32
    %eq3A_9 = arith.cmpi eq, %arg1, %eq3A : i32
    %convert_element_type3A = arith.extui %eq3A_9 : i1 to i32
    %cond3A = arith.constant 0 : i32
    %cond3A_10 = arith.cmpi ne, %convert_element_type3A, %cond3A : i32
    scf.if %cond3A_10 {
      "tpu.region"() ({
        %run_scoped3A = tpu.sem_alloc : memref<!tpu.dma_semaphore, #tpu.memory_space<semaphore_mem>>
        %dma_start3A = arith.constant 9984 : i32
        %dma_start3A_46 = arith.constant 0 : i32
        %dma_start3A_47 = tpu.memref_slice %arg8[%dma_start3A, %dma_start3A_46] : memref<10008x8xf32, #tpu.memory_space<vmem_shared>> -> memref<16x8xf32, #tpu.memory_space<vmem_shared>>
        %dma_start3A_48 = arith.constant 9984 : i32
        %dma_start3A_49 = arith.constant 0 : i32
        %dma_start3A_50 = tpu.memref_slice %arg4[%dma_start3A_48, %dma_start3A_49] : memref<10000x8xf32, #tpu.memory_space<hbm>> -> memref<16x8xf32, #tpu.memory_space<hbm>>
        tpu.enqueue_dma source(%dma_start3A_50 : memref<16x8xf32, #tpu.memory_space<hbm>>) target(%dma_start3A_47 : memref<16x8xf32, #tpu.memory_space<vmem_shared>>) target_semaphore(%run_scoped3A : memref<!tpu.dma_semaphore, #tpu.memory_space<semaphore_mem>>)
        %dma_wait3A = arith.constant 9984 : i32
        %dma_wait3A_51 = arith.constant 0 : i32
        %dma_wait3A_52 = tpu.memref_slice %arg8[%dma_wait3A, %dma_wait3A_51] : memref<10008x8xf32, #tpu.memory_space<vmem_shared>> -> memref<16x8xf32, #tpu.memory_space<vmem_shared>>
        %dma_wait3A_53 = arith.constant 9984 : i32
        %dma_wait3A_54 = arith.constant 0 : i32
        %dma_wait3A_55 = tpu.memref_slice %arg4[%dma_wait3A_53, %dma_wait3A_54] : memref<10000x8xf32, #tpu.memory_space<hbm>> -> memref<16x8xf32, #tpu.memory_space<hbm>>
        tpu.wait_dma2 semaphore(%run_scoped3A : memref<!tpu.dma_semaphore, #tpu.memory_space<semaphore_mem>>) src(%dma_wait3A_55 : memref<16x8xf32, #tpu.memory_space<hbm>>) dst(%dma_wait3A_52 : memref<16x8xf32, #tpu.memory_space<vmem_shared>>)
        tpu.yield
      }) : () -> ()
      "tpu.region"() ({
        %run_scoped3A = tpu.sem_alloc : memref<!tpu.dma_semaphore, #tpu.memory_space<semaphore_mem>>
        %dma_start3A = arith.constant 9984 : i32
        %dma_start3A_46 = arith.constant 0 : i32
        %dma_start3A_47 = tpu.memref_slice %arg9[%dma_start3A, %dma_start3A_46] : memref<10008x8xf32, #tpu.memory_space<vmem_shared>> -> memref<16x8xf32, #tpu.memory_space<vmem_shared>>
        %dma_start3A_48 = arith.constant 9984 : i32
        %dma_start3A_49 = arith.constant 0 : i32
        %dma_start3A_50 = tpu.memref_slice %arg4[%dma_start3A_48, %dma_start3A_49] : memref<10000x8xf32, #tpu.memory_space<hbm>> -> memref<16x8xf32, #tpu.memory_space<hbm>>
        tpu.enqueue_dma source(%dma_start3A_50 : memref<16x8xf32, #tpu.memory_space<hbm>>) target(%dma_start3A_47 : memref<16x8xf32, #tpu.memory_space<vmem_shared>>) target_semaphore(%run_scoped3A : memref<!tpu.dma_semaphore, #tpu.memory_space<semaphore_mem>>)
        %dma_wait3A = arith.constant 9984 : i32
        %dma_wait3A_51 = arith.constant 0 : i32
        %dma_wait3A_52 = tpu.memref_slice %arg9[%dma_wait3A, %dma_wait3A_51] : memref<10008x8xf32, #tpu.memory_space<vmem_shared>> -> memref<16x8xf32, #tpu.memory_space<vmem_shared>>
        %dma_wait3A_53 = arith.constant 9984 : i32
        %dma_wait3A_54 = arith.constant 0 : i32
        %dma_wait3A_55 = tpu.memref_slice %arg4[%dma_wait3A_53, %dma_wait3A_54] : memref<10000x8xf32, #tpu.memory_space<hbm>> -> memref<16x8xf32, #tpu.memory_space<hbm>>
        tpu.wait_dma2 semaphore(%run_scoped3A : memref<!tpu.dma_semaphore, #tpu.memory_space<semaphore_mem>>) src(%dma_wait3A_55 : memref<16x8xf32, #tpu.memory_space<hbm>>) dst(%dma_wait3A_52 : memref<16x8xf32, #tpu.memory_space<vmem_shared>>)
        tpu.yield
      }) : () -> ()
    } else {
    }
    %mul3A_11 = arith.constant 81 : i32
    %mul3A_12 = arith.muli %add3A, %mul3A_11 : i32
    "tpu.region"() ({
      %run_scoped3A = tpu.sem_alloc : memref<!tpu.dma_semaphore, #tpu.memory_space<semaphore_mem>>
      %dma_start3A = arith.constant 0 : i32
      %dma_start3A_46 = tpu.memref_slice %arg2[%mul3A_12, %dma_start3A] : memref<2592x128xi32, #tpu.memory_space<hbm>> -> memref<81x128xi32, #tpu.memory_space<hbm>>
      %dma_start3A_47 = arith.constant 0 : i32
      %dma_start3A_48 = tpu.memref_slice %arg2[%mul3A_12, %dma_start3A_47] : memref<2592x128xi32, #tpu.memory_space<hbm>> -> memref<81x128xi32, #tpu.memory_space<hbm>>
      tpu.enqueue_dma source(%dma_start3A_48 : memref<81x128xi32, #tpu.memory_space<hbm>>) target(%arg10 : memref<81x128xi32, #tpu.memory_space<vmem>>) target_semaphore(%run_scoped3A : memref<!tpu.dma_semaphore, #tpu.memory_space<semaphore_mem>>)
      %dma_wait3A = arith.constant 0 : i32
      %dma_wait3A_49 = tpu.memref_slice %arg2[%mul3A_12, %dma_wait3A] : memref<2592x128xi32, #tpu.memory_space<hbm>> -> memref<81x128xi32, #tpu.memory_space<hbm>>
      %dma_wait3A_50 = arith.constant 0 : i32
      %dma_wait3A_51 = tpu.memref_slice %arg2[%mul3A_12, %dma_wait3A_50] : memref<2592x128xi32, #tpu.memory_space<hbm>> -> memref<81x128xi32, #tpu.memory_space<hbm>>
      tpu.wait_dma2 semaphore(%run_scoped3A : memref<!tpu.dma_semaphore, #tpu.memory_space<semaphore_mem>>) src(%dma_wait3A_51 : memref<81x128xi32, #tpu.memory_space<hbm>>) dst(%arg10 : memref<81x128xi32, #tpu.memory_space<vmem>>)
      tpu.yield
    }) : () -> ()
    %mul3A_13 = arith.constant 81 : i32
    %mul3A_14 = arith.muli %add3A, %mul3A_13 : i32
    "tpu.region"() ({
      %run_scoped3A = tpu.sem_alloc : memref<!tpu.dma_semaphore, #tpu.memory_space<semaphore_mem>>
      %dma_start3A = arith.constant 0 : i32
      %dma_start3A_46 = tpu.memref_slice %arg3[%mul3A_14, %dma_start3A] : memref<2592x128xi32, #tpu.memory_space<hbm>> -> memref<81x128xi32, #tpu.memory_space<hbm>>
      %dma_start3A_47 = arith.constant 0 : i32
      %dma_start3A_48 = tpu.memref_slice %arg3[%mul3A_14, %dma_start3A_47] : memref<2592x128xi32, #tpu.memory_space<hbm>> -> memref<81x128xi32, #tpu.memory_space<hbm>>
      tpu.enqueue_dma source(%dma_start3A_48 : memref<81x128xi32, #tpu.memory_space<hbm>>) target(%arg11 : memref<81x128xi32, #tpu.memory_space<vmem>>) target_semaphore(%run_scoped3A : memref<!tpu.dma_semaphore, #tpu.memory_space<semaphore_mem>>)
      %dma_wait3A = arith.constant 0 : i32
      %dma_wait3A_49 = tpu.memref_slice %arg3[%mul3A_14, %dma_wait3A] : memref<2592x128xi32, #tpu.memory_space<hbm>> -> memref<81x128xi32, #tpu.memory_space<hbm>>
      %dma_wait3A_50 = arith.constant 0 : i32
      %dma_wait3A_51 = tpu.memref_slice %arg3[%mul3A_14, %dma_wait3A_50] : memref<2592x128xi32, #tpu.memory_space<hbm>> -> memref<81x128xi32, #tpu.memory_space<hbm>>
      tpu.wait_dma2 semaphore(%run_scoped3A : memref<!tpu.dma_semaphore, #tpu.memory_space<semaphore_mem>>) src(%dma_wait3A_51 : memref<81x128xi32, #tpu.memory_space<hbm>>) dst(%arg11 : memref<81x128xi32, #tpu.memory_space<vmem>>)
      tpu.yield
    }) : () -> ()
    "tpu.region"() ({
      %run_scoped3A = tpu.sem_alloc : memref<!tpu.dma_semaphore, #tpu.memory_space<semaphore_mem>>
      tpu.enqueue_dma source(%arg5 : memref<128x8xf32, #tpu.memory_space<hbm>>) target(%arg12 : memref<128x8xf32, #tpu.memory_space<vmem>>) target_semaphore(%run_scoped3A : memref<!tpu.dma_semaphore, #tpu.memory_space<semaphore_mem>>)
      tpu.wait_dma2 semaphore(%run_scoped3A : memref<!tpu.dma_semaphore, #tpu.memory_space<semaphore_mem>>) src(%arg5 : memref<128x8xf32, #tpu.memory_space<hbm>>) dst(%arg12 : memref<128x8xf32, #tpu.memory_space<vmem>>)
      tpu.yield
    }) : () -> ()
    %barrier3A = arith.constant 0 : index
    tpu.barrier barrier_id(%barrier3A)
    %scan3A = arith.constant 0 : i32
    %scan3A_15 = arith.constant 0 : i32
    %scan3A_16 = arith.constant 81 : i32
    %scan3A_17 = arith.addi %scan3A_15, %scan3A_16 : i32
    %scan3A_18 = arith.constant 1 : i32
    scf.for %scan3A_46 = %scan3A_15 to %scan3A_17 step %scan3A_18  : i32 {
      %dma_start3A = arith.constant 0 : i32
      %dma_start3A_47 = tpu.memref_slice %arg10[%scan3A_46, %dma_start3A] : memref<81x128xi32, #tpu.memory_space<vmem>> -> memref<1x128xi32, #tpu.memory_space<vmem>>
      %dma_start3A_48 = tpu.memref_squeeze %dma_start3A_47 : memref<1x128xi32, #tpu.memory_space<vmem>> -> memref<128xi32, #tpu.memory_space<vmem>>
      %dma_start3A_49 = arith.constant 0 : i32
      %dma_start3A_50 = arith.constant 0 : i32
      %dma_start3A_51 = tpu.memref_slice %arg8[%dma_start3A_49, %dma_start3A_50] : memref<10008x8xf32, #tpu.memory_space<vmem_shared>> -> memref<10008x8xf32, #tpu.memory_space<vmem_shared>>
      tpu.enqueue_indirect_dma source(%arg12 : memref<128x8xf32, #tpu.memory_space<vmem>>) target(%dma_start3A_51 : memref<10008x8xf32, #tpu.memory_space<vmem_shared>>) offsets(%dma_start3A_48 : memref<128xi32, #tpu.memory_space<vmem>>) semaphore(%arg13 : memref<!tpu.dma_semaphore, #tpu.memory_space<semaphore_mem>>) {add = true}
      %dma_start3A_52 = arith.constant 0 : i32
      %dma_start3A_53 = tpu.memref_slice %arg11[%scan3A_46, %dma_start3A_52] : memref<81x128xi32, #tpu.memory_space<vmem>> -> memref<1x128xi32, #tpu.memory_space<vmem>>
      %dma_start3A_54 = tpu.memref_squeeze %dma_start3A_53 : memref<1x128xi32, #tpu.memory_space<vmem>> -> memref<128xi32, #tpu.memory_space<vmem>>
      %dma_start3A_55 = arith.constant 0 : i32
      %dma_start3A_56 = arith.constant 0 : i32
      %dma_start3A_57 = tpu.memref_slice %arg9[%dma_start3A_55, %dma_start3A_56] : memref<10008x8xf32, #tpu.memory_space<vmem_shared>> -> memref<10008x8xf32, #tpu.memory_space<vmem_shared>>
      tpu.enqueue_indirect_dma source(%arg12 : memref<128x8xf32, #tpu.memory_space<vmem>>) target(%dma_start3A_57 : memref<10008x8xf32, #tpu.memory_space<vmem_shared>>) offsets(%dma_start3A_54 : memref<128xi32, #tpu.memory_space<vmem>>) semaphore(%arg13 : memref<!tpu.dma_semaphore, #tpu.memory_space<semaphore_mem>>) {add = true}
    }
    %scan3A_19 = arith.constant 81 : i32
    %scan3A_20 = arith.constant 0 : i32
    %scan3A_21 = arith.constant 0 : i32
    %scan3A_22 = arith.constant 81 : i32
    %scan3A_23 = arith.addi %scan3A_21, %scan3A_22 : i32
    %scan3A_24 = arith.constant 1 : i32
    scf.for %scan3A_46 = %scan3A_21 to %scan3A_23 step %scan3A_24  : i32 {
      %dma_wait3A = arith.constant 0 : i32
      %dma_wait3A_47 = tpu.memref_slice %arg10[%scan3A_46, %dma_wait3A] : memref<81x128xi32, #tpu.memory_space<vmem>> -> memref<1x128xi32, #tpu.memory_space<vmem>>
      %dma_wait3A_48 = tpu.memref_squeeze %dma_wait3A_47 : memref<1x128xi32, #tpu.memory_space<vmem>> -> memref<128xi32, #tpu.memory_space<vmem>>
      %dma_wait3A_49 = arith.constant 0 : i32
      %dma_wait3A_50 = arith.constant 0 : i32
      %dma_wait3A_51 = tpu.memref_slice %arg8[%dma_wait3A_49, %dma_wait3A_50] : memref<10008x8xf32, #tpu.memory_space<vmem_shared>> -> memref<10008x8xf32, #tpu.memory_space<vmem_shared>>
      tpu.wait_indirect_dma semaphore(%arg13 : memref<!tpu.dma_semaphore, #tpu.memory_space<semaphore_mem>>) src(%arg12 : memref<128x8xf32, #tpu.memory_space<vmem>>) dst(%dma_wait3A_51 : memref<10008x8xf32, #tpu.memory_space<vmem_shared>>)
      %dma_wait3A_52 = arith.constant 0 : i32
      %dma_wait3A_53 = tpu.memref_slice %arg11[%scan3A_46, %dma_wait3A_52] : memref<81x128xi32, #tpu.memory_space<vmem>> -> memref<1x128xi32, #tpu.memory_space<vmem>>
      %dma_wait3A_54 = tpu.memref_squeeze %dma_wait3A_53 : memref<1x128xi32, #tpu.memory_space<vmem>> -> memref<128xi32, #tpu.memory_space<vmem>>
      %dma_wait3A_55 = arith.constant 0 : i32
      %dma_wait3A_56 = arith.constant 0 : i32
      %dma_wait3A_57 = tpu.memref_slice %arg9[%dma_wait3A_55, %dma_wait3A_56] : memref<10008x8xf32, #tpu.memory_space<vmem_shared>> -> memref<10008x8xf32, #tpu.memory_space<vmem_shared>>
      tpu.wait_indirect_dma semaphore(%arg13 : memref<!tpu.dma_semaphore, #tpu.memory_space<semaphore_mem>>) src(%arg12 : memref<128x8xf32, #tpu.memory_space<vmem>>) dst(%dma_wait3A_57 : memref<10008x8xf32, #tpu.memory_space<vmem_shared>>)
    }
    %scan3A_25 = arith.constant 81 : i32
    %barrier3A_26 = arith.constant 0 : index
    tpu.barrier barrier_id(%barrier3A_26)
    %mul3A_27 = arith.constant 624 : i32
    %mul3A_28 = arith.muli %arg1, %mul3A_27 : i32
    %mul3A_29 = arith.constant 10000 : i32
    %mul3A_30 = arith.muli %arg0, %mul3A_29 : i32
    %mul3A_31 = arith.constant 624 : i32
    %mul3A_32 = arith.muli %arg1, %mul3A_31 : i32
    %add3A_33 = arith.addi %mul3A_30, %mul3A_32 : i32
    "tpu.region"() ({
      %run_scoped3A = tpu.sem_alloc : memref<!tpu.dma_semaphore, #tpu.memory_space<semaphore_mem>>
      %dma_start3A = arith.constant 0 : i32
      %dma_start3A_46 = tpu.memref_slice %arg6[%add3A_33, %dma_start3A] : memref<20000x8xf32, #tpu.memory_space<hbm>> -> memref<624x8xf32, #tpu.memory_space<hbm>>
      %dma_start3A_47 = arith.constant 0 : i32
      %dma_start3A_48 = tpu.memref_slice %arg8[%mul3A_28, %dma_start3A_47] : memref<10008x8xf32, #tpu.memory_space<vmem_shared>> -> memref<624x8xf32, #tpu.memory_space<vmem_shared>>
      tpu.enqueue_dma source(%dma_start3A_48 : memref<624x8xf32, #tpu.memory_space<vmem_shared>>) target(%dma_start3A_46 : memref<624x8xf32, #tpu.memory_space<hbm>>) target_semaphore(%run_scoped3A : memref<!tpu.dma_semaphore, #tpu.memory_space<semaphore_mem>>)
      %dma_wait3A = arith.constant 0 : i32
      %dma_wait3A_49 = tpu.memref_slice %arg6[%add3A_33, %dma_wait3A] : memref<20000x8xf32, #tpu.memory_space<hbm>> -> memref<624x8xf32, #tpu.memory_space<hbm>>
      %dma_wait3A_50 = arith.constant 0 : i32
      %dma_wait3A_51 = tpu.memref_slice %arg8[%mul3A_28, %dma_wait3A_50] : memref<10008x8xf32, #tpu.memory_space<vmem_shared>> -> memref<624x8xf32, #tpu.memory_space<vmem_shared>>
      tpu.wait_dma2 semaphore(%run_scoped3A : memref<!tpu.dma_semaphore, #tpu.memory_space<semaphore_mem>>) src(%dma_wait3A_51 : memref<624x8xf32, #tpu.memory_space<vmem_shared>>) dst(%dma_wait3A_49 : memref<624x8xf32, #tpu.memory_space<hbm>>)
      tpu.yield
    }) : () -> ()
    %mul3A_34 = arith.constant 624 : i32
    %mul3A_35 = arith.muli %arg1, %mul3A_34 : i32
    %mul3A_36 = arith.constant 10000 : i32
    %mul3A_37 = arith.muli %arg0, %mul3A_36 : i32
    %mul3A_38 = arith.constant 624 : i32
    %mul3A_39 = arith.muli %arg1, %mul3A_38 : i32
    %add3A_40 = arith.addi %mul3A_37, %mul3A_39 : i32
    "tpu.region"() ({
      %run_scoped3A = tpu.sem_alloc : memref<!tpu.dma_semaphore, #tpu.memory_space<semaphore_mem>>
      %dma_start3A = arith.constant 0 : i32
      %dma_start3A_46 = tpu.memref_slice %arg7[%add3A_40, %dma_start3A] : memref<20000x8xf32, #tpu.memory_space<hbm>> -> memref<624x8xf32, #tpu.memory_space<hbm>>
      %dma_start3A_47 = arith.constant 0 : i32
      %dma_start3A_48 = tpu.memref_slice %arg9[%mul3A_35, %dma_start3A_47] : memref<10008x8xf32, #tpu.memory_space<vmem_shared>> -> memref<624x8xf32, #tpu.memory_space<vmem_shared>>
      tpu.enqueue_dma source(%dma_start3A_48 : memref<624x8xf32, #tpu.memory_space<vmem_shared>>) target(%dma_start3A_46 : memref<624x8xf32, #tpu.memory_space<hbm>>) target_semaphore(%run_scoped3A : memref<!tpu.dma_semaphore, #tpu.memory_space<semaphore_mem>>)
      %dma_wait3A = arith.constant 0 : i32
      %dma_wait3A_49 = tpu.memref_slice %arg7[%add3A_40, %dma_wait3A] : memref<20000x8xf32, #tpu.memory_space<hbm>> -> memref<624x8xf32, #tpu.memory_space<hbm>>
      %dma_wait3A_50 = arith.constant 0 : i32
      %dma_wait3A_51 = tpu.memref_slice %arg9[%mul3A_35, %dma_wait3A_50] : memref<10008x8xf32, #tpu.memory_space<vmem_shared>> -> memref<624x8xf32, #tpu.memory_space<vmem_shared>>
      tpu.wait_dma2 semaphore(%run_scoped3A : memref<!tpu.dma_semaphore, #tpu.memory_space<semaphore_mem>>) src(%dma_wait3A_51 : memref<624x8xf32, #tpu.memory_space<vmem_shared>>) dst(%dma_wait3A_49 : memref<624x8xf32, #tpu.memory_space<hbm>>)
      tpu.yield
    }) : () -> ()
    %eq3A_41 = arith.constant 15 : i32
    %eq3A_42 = arith.cmpi eq, %arg1, %eq3A_41 : i32
    %convert_element_type3A_43 = arith.extui %eq3A_42 : i1 to i32
    %cond3A_44 = arith.constant 0 : i32
    %cond3A_45 = arith.cmpi ne, %convert_element_type3A_43, %cond3A_44 : i32
    scf.if %cond3A_45 {
      %mul3A_46 = arith.constant 10000 : i32
      %mul3A_47 = arith.muli %arg0, %mul3A_46 : i32
      %add3A_48 = arith.constant 9984 : i32
      %add3A_49 = arith.addi %mul3A_47, %add3A_48 : i32
      "tpu.region"() ({
        %run_scoped3A = tpu.sem_alloc : memref<!tpu.dma_semaphore, #tpu.memory_space<semaphore_mem>>
        %dma_start3A = arith.constant 0 : i32
        %dma_start3A_54 = tpu.memref_slice %arg6[%add3A_49, %dma_start3A] : memref<20000x8xf32, #tpu.memory_space<hbm>> -> memref<16x8xf32, #tpu.memory_space<hbm>>
        %dma_start3A_55 = arith.constant 9984 : i32
        %dma_start3A_56 = arith.constant 0 : i32
        %dma_start3A_57 = tpu.memref_slice %arg8[%dma_start3A_55, %dma_start3A_56] : memref<10008x8xf32, #tpu.memory_space<vmem_shared>> -> memref<16x8xf32, #tpu.memory_space<vmem_shared>>
        tpu.enqueue_dma source(%dma_start3A_57 : memref<16x8xf32, #tpu.memory_space<vmem_shared>>) target(%dma_start3A_54 : memref<16x8xf32, #tpu.memory_space<hbm>>) target_semaphore(%run_scoped3A : memref<!tpu.dma_semaphore, #tpu.memory_space<semaphore_mem>>)
        %dma_wait3A = arith.constant 0 : i32
        %dma_wait3A_58 = tpu.memref_slice %arg6[%add3A_49, %dma_wait3A] : memref<20000x8xf32, #tpu.memory_space<hbm>> -> memref<16x8xf32, #tpu.memory_space<hbm>>
        %dma_wait3A_59 = arith.constant 9984 : i32
        %dma_wait3A_60 = arith.constant 0 : i32
        %dma_wait3A_61 = tpu.memref_slice %arg8[%dma_wait3A_59, %dma_wait3A_60] : memref<10008x8xf32, #tpu.memory_space<vmem_shared>> -> memref<16x8xf32, #tpu.memory_space<vmem_shared>>
        tpu.wait_dma2 semaphore(%run_scoped3A : memref<!tpu.dma_semaphore, #tpu.memory_space<semaphore_mem>>) src(%dma_wait3A_61 : memref<16x8xf32, #tpu.memory_space<vmem_shared>>) dst(%dma_wait3A_58 : memref<16x8xf32, #tpu.memory_space<hbm>>)
        tpu.yield
      }) : () -> ()
      %mul3A_50 = arith.constant 10000 : i32
      %mul3A_51 = arith.muli %arg0, %mul3A_50 : i32
      %add3A_52 = arith.constant 9984 : i32
      %add3A_53 = arith.addi %mul3A_51, %add3A_52 : i32
      "tpu.region"() ({
        %run_scoped3A = tpu.sem_alloc : memref<!tpu.dma_semaphore, #tpu.memory_space<semaphore_mem>>
        %dma_start3A = arith.constant 0 : i32
        %dma_start3A_54 = tpu.memref_slice %arg7[%add3A_53, %dma_start3A] : memref<20000x8xf32, #tpu.memory_space<hbm>> -> memref<16x8xf32, #tpu.memory_space<hbm>>
        %dma_start3A_55 = arith.constant 9984 : i32
        %dma_start3A_56 = arith.constant 0 : i32
        %dma_start3A_57 = tpu.memref_slice %arg9[%dma_start3A_55, %dma_start3A_56] : memref<10008x8xf32, #tpu.memory_space<vmem_shared>> -> memref<16x8xf32, #tpu.memory_space<vmem_shared>>
        tpu.enqueue_dma source(%dma_start3A_57 : memref<16x8xf32, #tpu.memory_space<vmem_shared>>) target(%dma_start3A_54 : memref<16x8xf32, #tpu.memory_space<hbm>>) target_semaphore(%run_scoped3A : memref<!tpu.dma_semaphore, #tpu.memory_space<semaphore_mem>>)
        %dma_wait3A = arith.constant 0 : i32
        %dma_wait3A_58 = tpu.memref_slice %arg7[%add3A_53, %dma_wait3A] : memref<20000x8xf32, #tpu.memory_space<hbm>> -> memref<16x8xf32, #tpu.memory_space<hbm>>
        %dma_wait3A_59 = arith.constant 9984 : i32
        %dma_wait3A_60 = arith.constant 0 : i32
        %dma_wait3A_61 = tpu.memref_slice %arg9[%dma_wait3A_59, %dma_wait3A_60] : memref<10008x8xf32, #tpu.memory_space<vmem_shared>> -> memref<16x8xf32, #tpu.memory_space<vmem_shared>>
        tpu.wait_dma2 semaphore(%run_scoped3A : memref<!tpu.dma_semaphore, #tpu.memory_space<semaphore_mem>>) src(%dma_wait3A_61 : memref<16x8xf32, #tpu.memory_space<vmem_shared>>) dst(%dma_wait3A_58 : memref<16x8xf32, #tpu.memory_space<hbm>>)
        tpu.yield
      }) : () -> ()
    } else {
    }
    return
  }
}

#map = affine_map<(d0, d1) -> (0, 0)>
#map1 = affine_map<(d0, d1) -> (0)>
module attributes {stable_mosaic.version = 14 : i64} {
  func.func @conv(%arg0: i32, %arg1: i32, %arg2: memref<10000x128xf32, #tpu.memory_space<hbm>>, %arg3: memref<320000xi32, #tpu.memory_space<hbm>>, %arg4: memref<320000xi32, #tpu.memory_space<hbm>>, %arg5: memref<10000x128xf32, #tpu.memory_space<hbm>>, %arg6: memref<20000x128xf32, #tpu.memory_space<hbm>>, %arg7: memref<10000x128xf32, #tpu.memory_space<vmem_shared>>, %arg8: memref<128xi32, #tpu.memory_space<vmem>>, %arg9: memref<128xi32, #tpu.memory_space<vmem>>, %arg10: memref<128x128xf32, #tpu.memory_space<vmem>>, %arg11: memref<16xi32, #tpu.memory_space<vmem>>, %arg12: memref<16xi32, #tpu.memory_space<vmem>>, %arg13: memref<16x128xf32, #tpu.memory_space<vmem>>, %arg14: memref<!tpu.dma_semaphore, #tpu.memory_space<semaphore_mem>>) attributes {dimension_semantics = [#tpu.dimension_semantics<core_parallel>, #tpu.dimension_semantics<subcore_parallel>], iteration_bounds = array<i64: 2, 16>, scalar_prefetch = 0 : i64, scratch_operands = 8 : i64, tpu.core_type = #tpu.core_type<sc_vector_subcore>, window_params = [{transform_indices = #map}, {transform_indices = #map1}, {transform_indices = #map1}, {transform_indices = #map}, {transform_indices = #map}]} {
    %mul3A = arith.constant 16 : i32
    %mul3A_0 = arith.muli %arg0, %mul3A : i32
    %add3A = arith.addi %mul3A_0, %arg1 : i32
    %mul3A_1 = arith.constant 624 : i32
    %mul3A_2 = arith.muli %arg1, %mul3A_1 : i32
    %mul3A_3 = arith.constant 624 : i32
    %mul3A_4 = arith.muli %arg1, %mul3A_3 : i32
    "tpu.region"() ({
      %run_scoped3A = tpu.sem_alloc : memref<!tpu.dma_semaphore, #tpu.memory_space<semaphore_mem>>
      %dma_start3A_33 = arith.constant 0 : i32
      %dma_start3A_34 = tpu.memref_slice %arg7[%mul3A_4, %dma_start3A_33] : memref<10000x128xf32, #tpu.memory_space<vmem_shared>> -> memref<624x128xf32, #tpu.memory_space<vmem_shared>>
      %dma_start3A_35 = arith.constant 0 : i32
      %dma_start3A_36 = tpu.memref_slice %arg5[%mul3A_2, %dma_start3A_35] : memref<10000x128xf32, #tpu.memory_space<hbm>> -> memref<624x128xf32, #tpu.memory_space<hbm>>
      tpu.enqueue_dma source(%dma_start3A_36 : memref<624x128xf32, #tpu.memory_space<hbm>>) target(%dma_start3A_34 : memref<624x128xf32, #tpu.memory_space<vmem_shared>>) target_semaphore(%run_scoped3A : memref<!tpu.dma_semaphore, #tpu.memory_space<semaphore_mem>>)
      %dma_wait3A_37 = arith.constant 0 : i32
      %dma_wait3A_38 = tpu.memref_slice %arg7[%mul3A_4, %dma_wait3A_37] : memref<10000x128xf32, #tpu.memory_space<vmem_shared>> -> memref<624x128xf32, #tpu.memory_space<vmem_shared>>
      %dma_wait3A_39 = arith.constant 0 : i32
      %dma_wait3A_40 = tpu.memref_slice %arg5[%mul3A_2, %dma_wait3A_39] : memref<10000x128xf32, #tpu.memory_space<hbm>> -> memref<624x128xf32, #tpu.memory_space<hbm>>
      tpu.wait_dma2 semaphore(%run_scoped3A : memref<!tpu.dma_semaphore, #tpu.memory_space<semaphore_mem>>) src(%dma_wait3A_40 : memref<624x128xf32, #tpu.memory_space<hbm>>) dst(%dma_wait3A_38 : memref<624x128xf32, #tpu.memory_space<vmem_shared>>)
      tpu.yield
    }) : () -> ()
    %eq3A = arith.constant 15 : i32
    %eq3A_5 = arith.cmpi eq, %arg1, %eq3A : i32
    %convert_element_type3A = arith.extui %eq3A_5 : i1 to i32
    %cond3A = arith.constant 0 : i32
    %cond3A_6 = arith.cmpi ne, %convert_element_type3A, %cond3A : i32
    scf.if %cond3A_6 {
      "tpu.region"() ({
        %run_scoped3A = tpu.sem_alloc : memref<!tpu.dma_semaphore, #tpu.memory_space<semaphore_mem>>
        %dma_start3A_33 = arith.constant 9984 : i32
        %dma_start3A_34 = arith.constant 0 : i32
        %dma_start3A_35 = tpu.memref_slice %arg7[%dma_start3A_33, %dma_start3A_34] : memref<10000x128xf32, #tpu.memory_space<vmem_shared>> -> memref<16x128xf32, #tpu.memory_space<vmem_shared>>
        %dma_start3A_36 = arith.constant 9984 : i32
        %dma_start3A_37 = arith.constant 0 : i32
        %dma_start3A_38 = tpu.memref_slice %arg5[%dma_start3A_36, %dma_start3A_37] : memref<10000x128xf32, #tpu.memory_space<hbm>> -> memref<16x128xf32, #tpu.memory_space<hbm>>
        tpu.enqueue_dma source(%dma_start3A_38 : memref<16x128xf32, #tpu.memory_space<hbm>>) target(%dma_start3A_35 : memref<16x128xf32, #tpu.memory_space<vmem_shared>>) target_semaphore(%run_scoped3A : memref<!tpu.dma_semaphore, #tpu.memory_space<semaphore_mem>>)
        %dma_wait3A_39 = arith.constant 9984 : i32
        %dma_wait3A_40 = arith.constant 0 : i32
        %dma_wait3A_41 = tpu.memref_slice %arg7[%dma_wait3A_39, %dma_wait3A_40] : memref<10000x128xf32, #tpu.memory_space<vmem_shared>> -> memref<16x128xf32, #tpu.memory_space<vmem_shared>>
        %dma_wait3A_42 = arith.constant 9984 : i32
        %dma_wait3A_43 = arith.constant 0 : i32
        %dma_wait3A_44 = tpu.memref_slice %arg5[%dma_wait3A_42, %dma_wait3A_43] : memref<10000x128xf32, #tpu.memory_space<hbm>> -> memref<16x128xf32, #tpu.memory_space<hbm>>
        tpu.wait_dma2 semaphore(%run_scoped3A : memref<!tpu.dma_semaphore, #tpu.memory_space<semaphore_mem>>) src(%dma_wait3A_44 : memref<16x128xf32, #tpu.memory_space<hbm>>) dst(%dma_wait3A_41 : memref<16x128xf32, #tpu.memory_space<vmem_shared>>)
        tpu.yield
      }) : () -> ()
    } else {
    }
    %barrier3A = arith.constant 0 : index
    tpu.barrier barrier_id(%barrier3A)
    %mul3A_7 = arith.constant 10000 : i32
    %mul3A_8 = arith.muli %add3A, %mul3A_7 : i32
    %scan3A = arith.constant 0 : i32
    %scan3A_9 = arith.constant 0 : i32
    %scan3A_10 = arith.constant 78 : i32
    %scan3A_11 = arith.addi %scan3A_9, %scan3A_10 : i32
    %scan3A_12 = arith.constant 1 : i32
    scf.for %scan3A_33 = %scan3A_9 to %scan3A_11 step %scan3A_12  : i32 {
      %mul3A_34 = arith.constant 128 : i32
      %mul3A_35 = arith.muli %scan3A_33, %mul3A_34 : i32
      %add3A_36 = arith.addi %mul3A_8, %mul3A_35 : i32
      "tpu.region"() ({
        %run_scoped3A = tpu.sem_alloc : memref<!tpu.dma_semaphore, #tpu.memory_space<semaphore_mem>>
        %dma_start3A_43 = tpu.memref_slice %arg3[%add3A_36] : memref<320000xi32, #tpu.memory_space<hbm>> -> memref<128xi32, #tpu.memory_space<hbm>>
        %dma_start3A_44 = tpu.memref_slice %arg3[%add3A_36] : memref<320000xi32, #tpu.memory_space<hbm>> -> memref<128xi32, #tpu.memory_space<hbm>>
        tpu.enqueue_dma source(%dma_start3A_44 : memref<128xi32, #tpu.memory_space<hbm>>) target(%arg8 : memref<128xi32, #tpu.memory_space<vmem>>) target_semaphore(%run_scoped3A : memref<!tpu.dma_semaphore, #tpu.memory_space<semaphore_mem>>)
        %dma_wait3A_45 = tpu.memref_slice %arg3[%add3A_36] : memref<320000xi32, #tpu.memory_space<hbm>> -> memref<128xi32, #tpu.memory_space<hbm>>
        %dma_wait3A_46 = tpu.memref_slice %arg3[%add3A_36] : memref<320000xi32, #tpu.memory_space<hbm>> -> memref<128xi32, #tpu.memory_space<hbm>>
        tpu.wait_dma2 semaphore(%run_scoped3A : memref<!tpu.dma_semaphore, #tpu.memory_space<semaphore_mem>>) src(%dma_wait3A_46 : memref<128xi32, #tpu.memory_space<hbm>>) dst(%arg8 : memref<128xi32, #tpu.memory_space<vmem>>)
        tpu.yield
      }) : () -> ()
      "tpu.region"() ({
        %run_scoped3A = tpu.sem_alloc : memref<!tpu.dma_semaphore, #tpu.memory_space<semaphore_mem>>
        %dma_start3A_43 = tpu.memref_slice %arg4[%add3A_36] : memref<320000xi32, #tpu.memory_space<hbm>> -> memref<128xi32, #tpu.memory_space<hbm>>
        %dma_start3A_44 = tpu.memref_slice %arg4[%add3A_36] : memref<320000xi32, #tpu.memory_space<hbm>> -> memref<128xi32, #tpu.memory_space<hbm>>
        tpu.enqueue_dma source(%dma_start3A_44 : memref<128xi32, #tpu.memory_space<hbm>>) target(%arg9 : memref<128xi32, #tpu.memory_space<vmem>>) target_semaphore(%run_scoped3A : memref<!tpu.dma_semaphore, #tpu.memory_space<semaphore_mem>>)
        %dma_wait3A_45 = tpu.memref_slice %arg4[%add3A_36] : memref<320000xi32, #tpu.memory_space<hbm>> -> memref<128xi32, #tpu.memory_space<hbm>>
        %dma_wait3A_46 = tpu.memref_slice %arg4[%add3A_36] : memref<320000xi32, #tpu.memory_space<hbm>> -> memref<128xi32, #tpu.memory_space<hbm>>
        tpu.wait_dma2 semaphore(%run_scoped3A : memref<!tpu.dma_semaphore, #tpu.memory_space<semaphore_mem>>) src(%dma_wait3A_46 : memref<128xi32, #tpu.memory_space<hbm>>) dst(%arg9 : memref<128xi32, #tpu.memory_space<vmem>>)
        tpu.yield
      }) : () -> ()
      %dma_start3A_37 = arith.constant 0 : i32
      %dma_start3A_38 = arith.constant 0 : i32
      %dma_start3A_39 = tpu.memref_slice %arg2[%dma_start3A_37, %dma_start3A_38] : memref<10000x128xf32, #tpu.memory_space<hbm>> -> memref<10000x128xf32, #tpu.memory_space<hbm>>
      tpu.enqueue_indirect_dma source(%dma_start3A_39 : memref<10000x128xf32, #tpu.memory_space<hbm>>) target(%arg10 : memref<128x128xf32, #tpu.memory_space<vmem>>) offsets(%arg8 : memref<128xi32, #tpu.memory_space<vmem>>) semaphore(%arg14 : memref<!tpu.dma_semaphore, #tpu.memory_space<semaphore_mem>>)
      %dma_wait3A_40 = arith.constant 0 : i32
      %dma_wait3A_41 = arith.constant 0 : i32
      %dma_wait3A_42 = tpu.memref_slice %arg2[%dma_wait3A_40, %dma_wait3A_41] : memref<10000x128xf32, #tpu.memory_space<hbm>> -> memref<10000x128xf32, #tpu.memory_space<hbm>>
      tpu.wait_indirect_dma semaphore(%arg14 : memref<!tpu.dma_semaphore, #tpu.memory_space<semaphore_mem>>) src(%dma_wait3A_42 : memref<10000x128xf32, #tpu.memory_space<hbm>>) dst(%arg10 : memref<128x128xf32, #tpu.memory_space<vmem>>)
      "tpu.region"() ({
        %run_scoped3A = tpu.sem_alloc : memref<!tpu.dma_semaphore, #tpu.memory_space<semaphore_mem>>
        %dma_start3A_43 = arith.constant 0 : i32
        %dma_start3A_44 = arith.constant 0 : i32
        %dma_start3A_45 = tpu.memref_slice %arg7[%dma_start3A_43, %dma_start3A_44] : memref<10000x128xf32, #tpu.memory_space<vmem_shared>> -> memref<10000x128xf32, #tpu.memory_space<vmem_shared>>
        tpu.enqueue_indirect_dma source(%arg10 : memref<128x128xf32, #tpu.memory_space<vmem>>) target(%dma_start3A_45 : memref<10000x128xf32, #tpu.memory_space<vmem_shared>>) offsets(%arg9 : memref<128xi32, #tpu.memory_space<vmem>>) semaphore(%run_scoped3A : memref<!tpu.dma_semaphore, #tpu.memory_space<semaphore_mem>>) {add = true}
        %dma_wait3A_46 = arith.constant 0 : i32
        %dma_wait3A_47 = arith.constant 0 : i32
        %dma_wait3A_48 = tpu.memref_slice %arg7[%dma_wait3A_46, %dma_wait3A_47] : memref<10000x128xf32, #tpu.memory_space<vmem_shared>> -> memref<10000x128xf32, #tpu.memory_space<vmem_shared>>
        tpu.wait_indirect_dma semaphore(%run_scoped3A : memref<!tpu.dma_semaphore, #tpu.memory_space<semaphore_mem>>) src(%arg10 : memref<128x128xf32, #tpu.memory_space<vmem>>) dst(%dma_wait3A_48 : memref<10000x128xf32, #tpu.memory_space<vmem_shared>>)
        tpu.yield
      }) : () -> ()
    }
    %scan3A_13 = arith.constant 78 : i32
    %add3A_14 = arith.constant 9984 : i32
    %add3A_15 = arith.addi %mul3A_8, %add3A_14 : i32
    "tpu.region"() ({
      %run_scoped3A = tpu.sem_alloc : memref<!tpu.dma_semaphore, #tpu.memory_space<semaphore_mem>>
      %dma_start3A_33 = tpu.memref_slice %arg3[%add3A_15] : memref<320000xi32, #tpu.memory_space<hbm>> -> memref<16xi32, #tpu.memory_space<hbm>>
      %dma_start3A_34 = tpu.memref_slice %arg3[%add3A_15] : memref<320000xi32, #tpu.memory_space<hbm>> -> memref<16xi32, #tpu.memory_space<hbm>>
      tpu.enqueue_dma source(%dma_start3A_34 : memref<16xi32, #tpu.memory_space<hbm>>) target(%arg11 : memref<16xi32, #tpu.memory_space<vmem>>) target_semaphore(%run_scoped3A : memref<!tpu.dma_semaphore, #tpu.memory_space<semaphore_mem>>)
      %dma_wait3A_35 = tpu.memref_slice %arg3[%add3A_15] : memref<320000xi32, #tpu.memory_space<hbm>> -> memref<16xi32, #tpu.memory_space<hbm>>
      %dma_wait3A_36 = tpu.memref_slice %arg3[%add3A_15] : memref<320000xi32, #tpu.memory_space<hbm>> -> memref<16xi32, #tpu.memory_space<hbm>>
      tpu.wait_dma2 semaphore(%run_scoped3A : memref<!tpu.dma_semaphore, #tpu.memory_space<semaphore_mem>>) src(%dma_wait3A_36 : memref<16xi32, #tpu.memory_space<hbm>>) dst(%arg11 : memref<16xi32, #tpu.memory_space<vmem>>)
      tpu.yield
    }) : () -> ()
    "tpu.region"() ({
      %run_scoped3A = tpu.sem_alloc : memref<!tpu.dma_semaphore, #tpu.memory_space<semaphore_mem>>
      %dma_start3A_33 = tpu.memref_slice %arg4[%add3A_15] : memref<320000xi32, #tpu.memory_space<hbm>> -> memref<16xi32, #tpu.memory_space<hbm>>
      %dma_start3A_34 = tpu.memref_slice %arg4[%add3A_15] : memref<320000xi32, #tpu.memory_space<hbm>> -> memref<16xi32, #tpu.memory_space<hbm>>
      tpu.enqueue_dma source(%dma_start3A_34 : memref<16xi32, #tpu.memory_space<hbm>>) target(%arg12 : memref<16xi32, #tpu.memory_space<vmem>>) target_semaphore(%run_scoped3A : memref<!tpu.dma_semaphore, #tpu.memory_space<semaphore_mem>>)
      %dma_wait3A_35 = tpu.memref_slice %arg4[%add3A_15] : memref<320000xi32, #tpu.memory_space<hbm>> -> memref<16xi32, #tpu.memory_space<hbm>>
      %dma_wait3A_36 = tpu.memref_slice %arg4[%add3A_15] : memref<320000xi32, #tpu.memory_space<hbm>> -> memref<16xi32, #tpu.memory_space<hbm>>
      tpu.wait_dma2 semaphore(%run_scoped3A : memref<!tpu.dma_semaphore, #tpu.memory_space<semaphore_mem>>) src(%dma_wait3A_36 : memref<16xi32, #tpu.memory_space<hbm>>) dst(%arg12 : memref<16xi32, #tpu.memory_space<vmem>>)
      tpu.yield
    }) : () -> ()
    %dma_start3A = arith.constant 0 : i32
    %dma_start3A_16 = arith.constant 0 : i32
    %dma_start3A_17 = tpu.memref_slice %arg2[%dma_start3A, %dma_start3A_16] : memref<10000x128xf32, #tpu.memory_space<hbm>> -> memref<10000x128xf32, #tpu.memory_space<hbm>>
    tpu.enqueue_indirect_dma source(%dma_start3A_17 : memref<10000x128xf32, #tpu.memory_space<hbm>>) target(%arg13 : memref<16x128xf32, #tpu.memory_space<vmem>>) offsets(%arg11 : memref<16xi32, #tpu.memory_space<vmem>>) semaphore(%arg14 : memref<!tpu.dma_semaphore, #tpu.memory_space<semaphore_mem>>)
    %dma_wait3A = arith.constant 0 : i32
    %dma_wait3A_18 = arith.constant 0 : i32
    %dma_wait3A_19 = tpu.memref_slice %arg2[%dma_wait3A, %dma_wait3A_18] : memref<10000x128xf32, #tpu.memory_space<hbm>> -> memref<10000x128xf32, #tpu.memory_space<hbm>>
    tpu.wait_indirect_dma semaphore(%arg14 : memref<!tpu.dma_semaphore, #tpu.memory_space<semaphore_mem>>) src(%dma_wait3A_19 : memref<10000x128xf32, #tpu.memory_space<hbm>>) dst(%arg13 : memref<16x128xf32, #tpu.memory_space<vmem>>)
    "tpu.region"() ({
      %run_scoped3A = tpu.sem_alloc : memref<!tpu.dma_semaphore, #tpu.memory_space<semaphore_mem>>
      %dma_start3A_33 = arith.constant 0 : i32
      %dma_start3A_34 = arith.constant 0 : i32
      %dma_start3A_35 = tpu.memref_slice %arg7[%dma_start3A_33, %dma_start3A_34] : memref<10000x128xf32, #tpu.memory_space<vmem_shared>> -> memref<10000x128xf32, #tpu.memory_space<vmem_shared>>
      tpu.enqueue_indirect_dma source(%arg13 : memref<16x128xf32, #tpu.memory_space<vmem>>) target(%dma_start3A_35 : memref<10000x128xf32, #tpu.memory_space<vmem_shared>>) offsets(%arg12 : memref<16xi32, #tpu.memory_space<vmem>>) semaphore(%run_scoped3A : memref<!tpu.dma_semaphore, #tpu.memory_space<semaphore_mem>>) {add = true}
      %dma_wait3A_36 = arith.constant 0 : i32
      %dma_wait3A_37 = arith.constant 0 : i32
      %dma_wait3A_38 = tpu.memref_slice %arg7[%dma_wait3A_36, %dma_wait3A_37] : memref<10000x128xf32, #tpu.memory_space<vmem_shared>> -> memref<10000x128xf32, #tpu.memory_space<vmem_shared>>
      tpu.wait_indirect_dma semaphore(%run_scoped3A : memref<!tpu.dma_semaphore, #tpu.memory_space<semaphore_mem>>) src(%arg13 : memref<16x128xf32, #tpu.memory_space<vmem>>) dst(%dma_wait3A_38 : memref<10000x128xf32, #tpu.memory_space<vmem_shared>>)
      tpu.yield
    }) : () -> ()
    %barrier3A_20 = arith.constant 0 : index
    tpu.barrier barrier_id(%barrier3A_20)
    %mul3A_21 = arith.constant 624 : i32
    %mul3A_22 = arith.muli %arg1, %mul3A_21 : i32
    %mul3A_23 = arith.constant 10000 : i32
    %mul3A_24 = arith.muli %arg0, %mul3A_23 : i32
    %mul3A_25 = arith.constant 624 : i32
    %mul3A_26 = arith.muli %arg1, %mul3A_25 : i32
    %add3A_27 = arith.addi %mul3A_24, %mul3A_26 : i32
    "tpu.region"() ({
      %run_scoped3A = tpu.sem_alloc : memref<!tpu.dma_semaphore, #tpu.memory_space<semaphore_mem>>
      %dma_start3A_33 = arith.constant 0 : i32
      %dma_start3A_34 = tpu.memref_slice %arg6[%add3A_27, %dma_start3A_33] : memref<20000x128xf32, #tpu.memory_space<hbm>> -> memref<624x128xf32, #tpu.memory_space<hbm>>
      %dma_start3A_35 = arith.constant 0 : i32
      %dma_start3A_36 = tpu.memref_slice %arg7[%mul3A_22, %dma_start3A_35] : memref<10000x128xf32, #tpu.memory_space<vmem_shared>> -> memref<624x128xf32, #tpu.memory_space<vmem_shared>>
      tpu.enqueue_dma source(%dma_start3A_36 : memref<624x128xf32, #tpu.memory_space<vmem_shared>>) target(%dma_start3A_34 : memref<624x128xf32, #tpu.memory_space<hbm>>) target_semaphore(%run_scoped3A : memref<!tpu.dma_semaphore, #tpu.memory_space<semaphore_mem>>)
      %dma_wait3A_37 = arith.constant 0 : i32
      %dma_wait3A_38 = tpu.memref_slice %arg6[%add3A_27, %dma_wait3A_37] : memref<20000x128xf32, #tpu.memory_space<hbm>> -> memref<624x128xf32, #tpu.memory_space<hbm>>
      %dma_wait3A_39 = arith.constant 0 : i32
      %dma_wait3A_40 = tpu.memref_slice %arg7[%mul3A_22, %dma_wait3A_39] : memref<10000x128xf32, #tpu.memory_space<vmem_shared>> -> memref<624x128xf32, #tpu.memory_space<vmem_shared>>
      tpu.wait_dma2 semaphore(%run_scoped3A : memref<!tpu.dma_semaphore, #tpu.memory_space<semaphore_mem>>) src(%dma_wait3A_40 : memref<624x128xf32, #tpu.memory_space<vmem_shared>>) dst(%dma_wait3A_38 : memref<624x128xf32, #tpu.memory_space<hbm>>)
      tpu.yield
    }) : () -> ()
    %eq3A_28 = arith.constant 15 : i32
    %eq3A_29 = arith.cmpi eq, %arg1, %eq3A_28 : i32
    %convert_element_type3A_30 = arith.extui %eq3A_29 : i1 to i32
    %cond3A_31 = arith.constant 0 : i32
    %cond3A_32 = arith.cmpi ne, %convert_element_type3A_30, %cond3A_31 : i32
    scf.if %cond3A_32 {
      %mul3A_33 = arith.constant 10000 : i32
      %mul3A_34 = arith.muli %arg0, %mul3A_33 : i32
      %add3A_35 = arith.constant 9984 : i32
      %add3A_36 = arith.addi %mul3A_34, %add3A_35 : i32
      "tpu.region"() ({
        %run_scoped3A = tpu.sem_alloc : memref<!tpu.dma_semaphore, #tpu.memory_space<semaphore_mem>>
        %dma_start3A_37 = arith.constant 0 : i32
        %dma_start3A_38 = tpu.memref_slice %arg6[%add3A_36, %dma_start3A_37] : memref<20000x128xf32, #tpu.memory_space<hbm>> -> memref<16x128xf32, #tpu.memory_space<hbm>>
        %dma_start3A_39 = arith.constant 9984 : i32
        %dma_start3A_40 = arith.constant 0 : i32
        %dma_start3A_41 = tpu.memref_slice %arg7[%dma_start3A_39, %dma_start3A_40] : memref<10000x128xf32, #tpu.memory_space<vmem_shared>> -> memref<16x128xf32, #tpu.memory_space<vmem_shared>>
        tpu.enqueue_dma source(%dma_start3A_41 : memref<16x128xf32, #tpu.memory_space<vmem_shared>>) target(%dma_start3A_38 : memref<16x128xf32, #tpu.memory_space<hbm>>) target_semaphore(%run_scoped3A : memref<!tpu.dma_semaphore, #tpu.memory_space<semaphore_mem>>)
        %dma_wait3A_42 = arith.constant 0 : i32
        %dma_wait3A_43 = tpu.memref_slice %arg6[%add3A_36, %dma_wait3A_42] : memref<20000x128xf32, #tpu.memory_space<hbm>> -> memref<16x128xf32, #tpu.memory_space<hbm>>
        %dma_wait3A_44 = arith.constant 9984 : i32
        %dma_wait3A_45 = arith.constant 0 : i32
        %dma_wait3A_46 = tpu.memref_slice %arg7[%dma_wait3A_44, %dma_wait3A_45] : memref<10000x128xf32, #tpu.memory_space<vmem_shared>> -> memref<16x128xf32, #tpu.memory_space<vmem_shared>>
        tpu.wait_dma2 semaphore(%run_scoped3A : memref<!tpu.dma_semaphore, #tpu.memory_space<semaphore_mem>>) src(%dma_wait3A_46 : memref<16x128xf32, #tpu.memory_space<vmem_shared>>) dst(%dma_wait3A_43 : memref<16x128xf32, #tpu.memory_space<hbm>>)
        tpu.yield
      }) : () -> ()
    } else {
    }
    return
  }
}

#map = affine_map<(d0, d1) -> (0, 0)>
#map1 = affine_map<(d0, d1) -> (0)>
module attributes {stable_mosaic.version = 14 : i64} {
  func.func @conv(%arg0: i32, %arg1: i32, %arg2: memref<10000x128xf32, #tpu.memory_space<hbm>>, %arg3: memref<320000xi32, #tpu.memory_space<hbm>>, %arg4: memref<320000xi32, #tpu.memory_space<hbm>>, %arg5: memref<10000x128xf32, #tpu.memory_space<hbm>>, %arg6: memref<20000x128xf32, #tpu.memory_space<hbm>>, %arg7: memref<10000x128xf32, #tpu.memory_space<vmem_shared>>, %arg8: memref<128xi32, #tpu.memory_space<vmem>>, %arg9: memref<128xi32, #tpu.memory_space<vmem>>, %arg10: memref<128x128xf32, #tpu.memory_space<vmem>>, %arg11: memref<16xi32, #tpu.memory_space<vmem>>, %arg12: memref<16xi32, #tpu.memory_space<vmem>>, %arg13: memref<16x128xf32, #tpu.memory_space<vmem>>, %arg14: memref<!tpu.dma_semaphore, #tpu.memory_space<semaphore_mem>>) attributes {dimension_semantics = [#tpu.dimension_semantics<core_parallel>, #tpu.dimension_semantics<subcore_parallel>], iteration_bounds = array<i64: 2, 16>, scalar_prefetch = 0 : i64, scratch_operands = 8 : i64, tpu.core_type = #tpu.core_type<sc_vector_subcore>, window_params = [{transform_indices = #map}, {transform_indices = #map1}, {transform_indices = #map1}, {transform_indices = #map}, {transform_indices = #map}]} {
    %mul3A = arith.constant 16 : i32
    %mul3A_0 = arith.muli %arg0, %mul3A : i32
    %add3A = arith.addi %mul3A_0, %arg1 : i32
    %mul3A_1 = arith.constant 624 : i32
    %mul3A_2 = arith.muli %arg1, %mul3A_1 : i32
    %mul3A_3 = arith.constant 624 : i32
    %mul3A_4 = arith.muli %arg1, %mul3A_3 : i32
    "tpu.region"() ({
      %run_scoped3A = tpu.sem_alloc : memref<!tpu.dma_semaphore, #tpu.memory_space<semaphore_mem>>
      %dma_start3A_33 = arith.constant 0 : i32
      %dma_start3A_34 = tpu.memref_slice %arg7[%mul3A_4, %dma_start3A_33] : memref<10000x128xf32, #tpu.memory_space<vmem_shared>> -> memref<624x128xf32, #tpu.memory_space<vmem_shared>>
      %dma_start3A_35 = arith.constant 0 : i32
      %dma_start3A_36 = tpu.memref_slice %arg5[%mul3A_2, %dma_start3A_35] : memref<10000x128xf32, #tpu.memory_space<hbm>> -> memref<624x128xf32, #tpu.memory_space<hbm>>
      tpu.enqueue_dma source(%dma_start3A_36 : memref<624x128xf32, #tpu.memory_space<hbm>>) target(%dma_start3A_34 : memref<624x128xf32, #tpu.memory_space<vmem_shared>>) target_semaphore(%run_scoped3A : memref<!tpu.dma_semaphore, #tpu.memory_space<semaphore_mem>>)
      %dma_wait3A_37 = arith.constant 0 : i32
      %dma_wait3A_38 = tpu.memref_slice %arg7[%mul3A_4, %dma_wait3A_37] : memref<10000x128xf32, #tpu.memory_space<vmem_shared>> -> memref<624x128xf32, #tpu.memory_space<vmem_shared>>
      %dma_wait3A_39 = arith.constant 0 : i32
      %dma_wait3A_40 = tpu.memref_slice %arg5[%mul3A_2, %dma_wait3A_39] : memref<10000x128xf32, #tpu.memory_space<hbm>> -> memref<624x128xf32, #tpu.memory_space<hbm>>
      tpu.wait_dma2 semaphore(%run_scoped3A : memref<!tpu.dma_semaphore, #tpu.memory_space<semaphore_mem>>) src(%dma_wait3A_40 : memref<624x128xf32, #tpu.memory_space<hbm>>) dst(%dma_wait3A_38 : memref<624x128xf32, #tpu.memory_space<vmem_shared>>)
      tpu.yield
    }) : () -> ()
    %eq3A = arith.constant 15 : i32
    %eq3A_5 = arith.cmpi eq, %arg1, %eq3A : i32
    %convert_element_type3A = arith.extui %eq3A_5 : i1 to i32
    %cond3A = arith.constant 0 : i32
    %cond3A_6 = arith.cmpi ne, %convert_element_type3A, %cond3A : i32
    scf.if %cond3A_6 {
      "tpu.region"() ({
        %run_scoped3A = tpu.sem_alloc : memref<!tpu.dma_semaphore, #tpu.memory_space<semaphore_mem>>
        %dma_start3A_33 = arith.constant 9984 : i32
        %dma_start3A_34 = arith.constant 0 : i32
        %dma_start3A_35 = tpu.memref_slice %arg7[%dma_start3A_33, %dma_start3A_34] : memref<10000x128xf32, #tpu.memory_space<vmem_shared>> -> memref<16x128xf32, #tpu.memory_space<vmem_shared>>
        %dma_start3A_36 = arith.constant 9984 : i32
        %dma_start3A_37 = arith.constant 0 : i32
        %dma_start3A_38 = tpu.memref_slice %arg5[%dma_start3A_36, %dma_start3A_37] : memref<10000x128xf32, #tpu.memory_space<hbm>> -> memref<16x128xf32, #tpu.memory_space<hbm>>
        tpu.enqueue_dma source(%dma_start3A_38 : memref<16x128xf32, #tpu.memory_space<hbm>>) target(%dma_start3A_35 : memref<16x128xf32, #tpu.memory_space<vmem_shared>>) target_semaphore(%run_scoped3A : memref<!tpu.dma_semaphore, #tpu.memory_space<semaphore_mem>>)
        %dma_wait3A_39 = arith.constant 9984 : i32
        %dma_wait3A_40 = arith.constant 0 : i32
        %dma_wait3A_41 = tpu.memref_slice %arg7[%dma_wait3A_39, %dma_wait3A_40] : memref<10000x128xf32, #tpu.memory_space<vmem_shared>> -> memref<16x128xf32, #tpu.memory_space<vmem_shared>>
        %dma_wait3A_42 = arith.constant 9984 : i32
        %dma_wait3A_43 = arith.constant 0 : i32
        %dma_wait3A_44 = tpu.memref_slice %arg5[%dma_wait3A_42, %dma_wait3A_43] : memref<10000x128xf32, #tpu.memory_space<hbm>> -> memref<16x128xf32, #tpu.memory_space<hbm>>
        tpu.wait_dma2 semaphore(%run_scoped3A : memref<!tpu.dma_semaphore, #tpu.memory_space<semaphore_mem>>) src(%dma_wait3A_44 : memref<16x128xf32, #tpu.memory_space<hbm>>) dst(%dma_wait3A_41 : memref<16x128xf32, #tpu.memory_space<vmem_shared>>)
        tpu.yield
      }) : () -> ()
    } else {
    }
    %barrier3A = arith.constant 0 : index
    tpu.barrier barrier_id(%barrier3A)
    %mul3A_7 = arith.constant 10000 : i32
    %mul3A_8 = arith.muli %add3A, %mul3A_7 : i32
    %scan3A = arith.constant 0 : i32
    %scan3A_9 = arith.constant 0 : i32
    %scan3A_10 = arith.constant 78 : i32
    %scan3A_11 = arith.addi %scan3A_9, %scan3A_10 : i32
    %scan3A_12 = arith.constant 1 : i32
    scf.for %scan3A_33 = %scan3A_9 to %scan3A_11 step %scan3A_12  : i32 {
      %mul3A_34 = arith.constant 128 : i32
      %mul3A_35 = arith.muli %scan3A_33, %mul3A_34 : i32
      %add3A_36 = arith.addi %mul3A_8, %mul3A_35 : i32
      "tpu.region"() ({
        %run_scoped3A = tpu.sem_alloc : memref<!tpu.dma_semaphore, #tpu.memory_space<semaphore_mem>>
        %dma_start3A_43 = tpu.memref_slice %arg3[%add3A_36] : memref<320000xi32, #tpu.memory_space<hbm>> -> memref<128xi32, #tpu.memory_space<hbm>>
        %dma_start3A_44 = tpu.memref_slice %arg3[%add3A_36] : memref<320000xi32, #tpu.memory_space<hbm>> -> memref<128xi32, #tpu.memory_space<hbm>>
        tpu.enqueue_dma source(%dma_start3A_44 : memref<128xi32, #tpu.memory_space<hbm>>) target(%arg8 : memref<128xi32, #tpu.memory_space<vmem>>) target_semaphore(%run_scoped3A : memref<!tpu.dma_semaphore, #tpu.memory_space<semaphore_mem>>)
        %dma_wait3A_45 = tpu.memref_slice %arg3[%add3A_36] : memref<320000xi32, #tpu.memory_space<hbm>> -> memref<128xi32, #tpu.memory_space<hbm>>
        %dma_wait3A_46 = tpu.memref_slice %arg3[%add3A_36] : memref<320000xi32, #tpu.memory_space<hbm>> -> memref<128xi32, #tpu.memory_space<hbm>>
        tpu.wait_dma2 semaphore(%run_scoped3A : memref<!tpu.dma_semaphore, #tpu.memory_space<semaphore_mem>>) src(%dma_wait3A_46 : memref<128xi32, #tpu.memory_space<hbm>>) dst(%arg8 : memref<128xi32, #tpu.memory_space<vmem>>)
        tpu.yield
      }) : () -> ()
      "tpu.region"() ({
        %run_scoped3A = tpu.sem_alloc : memref<!tpu.dma_semaphore, #tpu.memory_space<semaphore_mem>>
        %dma_start3A_43 = tpu.memref_slice %arg4[%add3A_36] : memref<320000xi32, #tpu.memory_space<hbm>> -> memref<128xi32, #tpu.memory_space<hbm>>
        %dma_start3A_44 = tpu.memref_slice %arg4[%add3A_36] : memref<320000xi32, #tpu.memory_space<hbm>> -> memref<128xi32, #tpu.memory_space<hbm>>
        tpu.enqueue_dma source(%dma_start3A_44 : memref<128xi32, #tpu.memory_space<hbm>>) target(%arg9 : memref<128xi32, #tpu.memory_space<vmem>>) target_semaphore(%run_scoped3A : memref<!tpu.dma_semaphore, #tpu.memory_space<semaphore_mem>>)
        %dma_wait3A_45 = tpu.memref_slice %arg4[%add3A_36] : memref<320000xi32, #tpu.memory_space<hbm>> -> memref<128xi32, #tpu.memory_space<hbm>>
        %dma_wait3A_46 = tpu.memref_slice %arg4[%add3A_36] : memref<320000xi32, #tpu.memory_space<hbm>> -> memref<128xi32, #tpu.memory_space<hbm>>
        tpu.wait_dma2 semaphore(%run_scoped3A : memref<!tpu.dma_semaphore, #tpu.memory_space<semaphore_mem>>) src(%dma_wait3A_46 : memref<128xi32, #tpu.memory_space<hbm>>) dst(%arg9 : memref<128xi32, #tpu.memory_space<vmem>>)
        tpu.yield
      }) : () -> ()
      %dma_start3A_37 = arith.constant 0 : i32
      %dma_start3A_38 = arith.constant 0 : i32
      %dma_start3A_39 = tpu.memref_slice %arg2[%dma_start3A_37, %dma_start3A_38] : memref<10000x128xf32, #tpu.memory_space<hbm>> -> memref<10000x128xf32, #tpu.memory_space<hbm>>
      tpu.enqueue_indirect_dma source(%dma_start3A_39 : memref<10000x128xf32, #tpu.memory_space<hbm>>) target(%arg10 : memref<128x128xf32, #tpu.memory_space<vmem>>) offsets(%arg8 : memref<128xi32, #tpu.memory_space<vmem>>) semaphore(%arg14 : memref<!tpu.dma_semaphore, #tpu.memory_space<semaphore_mem>>)
      %dma_wait3A_40 = arith.constant 0 : i32
      %dma_wait3A_41 = arith.constant 0 : i32
      %dma_wait3A_42 = tpu.memref_slice %arg2[%dma_wait3A_40, %dma_wait3A_41] : memref<10000x128xf32, #tpu.memory_space<hbm>> -> memref<10000x128xf32, #tpu.memory_space<hbm>>
      tpu.wait_indirect_dma semaphore(%arg14 : memref<!tpu.dma_semaphore, #tpu.memory_space<semaphore_mem>>) src(%dma_wait3A_42 : memref<10000x128xf32, #tpu.memory_space<hbm>>) dst(%arg10 : memref<128x128xf32, #tpu.memory_space<vmem>>)
      "tpu.region"() ({
        %run_scoped3A = tpu.sem_alloc : memref<!tpu.dma_semaphore, #tpu.memory_space<semaphore_mem>>
        %dma_start3A_43 = arith.constant 0 : i32
        %dma_start3A_44 = arith.constant 0 : i32
        %dma_start3A_45 = tpu.memref_slice %arg7[%dma_start3A_43, %dma_start3A_44] : memref<10000x128xf32, #tpu.memory_space<vmem_shared>> -> memref<10000x128xf32, #tpu.memory_space<vmem_shared>>
        tpu.enqueue_indirect_dma source(%arg10 : memref<128x128xf32, #tpu.memory_space<vmem>>) target(%dma_start3A_45 : memref<10000x128xf32, #tpu.memory_space<vmem_shared>>) offsets(%arg9 : memref<128xi32, #tpu.memory_space<vmem>>) semaphore(%run_scoped3A : memref<!tpu.dma_semaphore, #tpu.memory_space<semaphore_mem>>) {add = true}
        %dma_wait3A_46 = arith.constant 0 : i32
        %dma_wait3A_47 = arith.constant 0 : i32
        %dma_wait3A_48 = tpu.memref_slice %arg7[%dma_wait3A_46, %dma_wait3A_47] : memref<10000x128xf32, #tpu.memory_space<vmem_shared>> -> memref<10000x128xf32, #tpu.memory_space<vmem_shared>>
        tpu.wait_indirect_dma semaphore(%run_scoped3A : memref<!tpu.dma_semaphore, #tpu.memory_space<semaphore_mem>>) src(%arg10 : memref<128x128xf32, #tpu.memory_space<vmem>>) dst(%dma_wait3A_48 : memref<10000x128xf32, #tpu.memory_space<vmem_shared>>)
        tpu.yield
      }) : () -> ()
    }
    %scan3A_13 = arith.constant 78 : i32
    %add3A_14 = arith.constant 9984 : i32
    %add3A_15 = arith.addi %mul3A_8, %add3A_14 : i32
    "tpu.region"() ({
      %run_scoped3A = tpu.sem_alloc : memref<!tpu.dma_semaphore, #tpu.memory_space<semaphore_mem>>
      %dma_start3A_33 = tpu.memref_slice %arg3[%add3A_15] : memref<320000xi32, #tpu.memory_space<hbm>> -> memref<16xi32, #tpu.memory_space<hbm>>
      %dma_start3A_34 = tpu.memref_slice %arg3[%add3A_15] : memref<320000xi32, #tpu.memory_space<hbm>> -> memref<16xi32, #tpu.memory_space<hbm>>
      tpu.enqueue_dma source(%dma_start3A_34 : memref<16xi32, #tpu.memory_space<hbm>>) target(%arg11 : memref<16xi32, #tpu.memory_space<vmem>>) target_semaphore(%run_scoped3A : memref<!tpu.dma_semaphore, #tpu.memory_space<semaphore_mem>>)
      %dma_wait3A_35 = tpu.memref_slice %arg3[%add3A_15] : memref<320000xi32, #tpu.memory_space<hbm>> -> memref<16xi32, #tpu.memory_space<hbm>>
      %dma_wait3A_36 = tpu.memref_slice %arg3[%add3A_15] : memref<320000xi32, #tpu.memory_space<hbm>> -> memref<16xi32, #tpu.memory_space<hbm>>
      tpu.wait_dma2 semaphore(%run_scoped3A : memref<!tpu.dma_semaphore, #tpu.memory_space<semaphore_mem>>) src(%dma_wait3A_36 : memref<16xi32, #tpu.memory_space<hbm>>) dst(%arg11 : memref<16xi32, #tpu.memory_space<vmem>>)
      tpu.yield
    }) : () -> ()
    "tpu.region"() ({
      %run_scoped3A = tpu.sem_alloc : memref<!tpu.dma_semaphore, #tpu.memory_space<semaphore_mem>>
      %dma_start3A_33 = tpu.memref_slice %arg4[%add3A_15] : memref<320000xi32, #tpu.memory_space<hbm>> -> memref<16xi32, #tpu.memory_space<hbm>>
      %dma_start3A_34 = tpu.memref_slice %arg4[%add3A_15] : memref<320000xi32, #tpu.memory_space<hbm>> -> memref<16xi32, #tpu.memory_space<hbm>>
      tpu.enqueue_dma source(%dma_start3A_34 : memref<16xi32, #tpu.memory_space<hbm>>) target(%arg12 : memref<16xi32, #tpu.memory_space<vmem>>) target_semaphore(%run_scoped3A : memref<!tpu.dma_semaphore, #tpu.memory_space<semaphore_mem>>)
      %dma_wait3A_35 = tpu.memref_slice %arg4[%add3A_15] : memref<320000xi32, #tpu.memory_space<hbm>> -> memref<16xi32, #tpu.memory_space<hbm>>
      %dma_wait3A_36 = tpu.memref_slice %arg4[%add3A_15] : memref<320000xi32, #tpu.memory_space<hbm>> -> memref<16xi32, #tpu.memory_space<hbm>>
      tpu.wait_dma2 semaphore(%run_scoped3A : memref<!tpu.dma_semaphore, #tpu.memory_space<semaphore_mem>>) src(%dma_wait3A_36 : memref<16xi32, #tpu.memory_space<hbm>>) dst(%arg12 : memref<16xi32, #tpu.memory_space<vmem>>)
      tpu.yield
    }) : () -> ()
    %dma_start3A = arith.constant 0 : i32
    %dma_start3A_16 = arith.constant 0 : i32
    %dma_start3A_17 = tpu.memref_slice %arg2[%dma_start3A, %dma_start3A_16] : memref<10000x128xf32, #tpu.memory_space<hbm>> -> memref<10000x128xf32, #tpu.memory_space<hbm>>
    tpu.enqueue_indirect_dma source(%dma_start3A_17 : memref<10000x128xf32, #tpu.memory_space<hbm>>) target(%arg13 : memref<16x128xf32, #tpu.memory_space<vmem>>) offsets(%arg11 : memref<16xi32, #tpu.memory_space<vmem>>) semaphore(%arg14 : memref<!tpu.dma_semaphore, #tpu.memory_space<semaphore_mem>>)
    %dma_wait3A = arith.constant 0 : i32
    %dma_wait3A_18 = arith.constant 0 : i32
    %dma_wait3A_19 = tpu.memref_slice %arg2[%dma_wait3A, %dma_wait3A_18] : memref<10000x128xf32, #tpu.memory_space<hbm>> -> memref<10000x128xf32, #tpu.memory_space<hbm>>
    tpu.wait_indirect_dma semaphore(%arg14 : memref<!tpu.dma_semaphore, #tpu.memory_space<semaphore_mem>>) src(%dma_wait3A_19 : memref<10000x128xf32, #tpu.memory_space<hbm>>) dst(%arg13 : memref<16x128xf32, #tpu.memory_space<vmem>>)
    "tpu.region"() ({
      %run_scoped3A = tpu.sem_alloc : memref<!tpu.dma_semaphore, #tpu.memory_space<semaphore_mem>>
      %dma_start3A_33 = arith.constant 0 : i32
      %dma_start3A_34 = arith.constant 0 : i32
      %dma_start3A_35 = tpu.memref_slice %arg7[%dma_start3A_33, %dma_start3A_34] : memref<10000x128xf32, #tpu.memory_space<vmem_shared>> -> memref<10000x128xf32, #tpu.memory_space<vmem_shared>>
      tpu.enqueue_indirect_dma source(%arg13 : memref<16x128xf32, #tpu.memory_space<vmem>>) target(%dma_start3A_35 : memref<10000x128xf32, #tpu.memory_space<vmem_shared>>) offsets(%arg12 : memref<16xi32, #tpu.memory_space<vmem>>) semaphore(%run_scoped3A : memref<!tpu.dma_semaphore, #tpu.memory_space<semaphore_mem>>) {add = true}
      %dma_wait3A_36 = arith.constant 0 : i32
      %dma_wait3A_37 = arith.constant 0 : i32
      %dma_wait3A_38 = tpu.memref_slice %arg7[%dma_wait3A_36, %dma_wait3A_37] : memref<10000x128xf32, #tpu.memory_space<vmem_shared>> -> memref<10000x128xf32, #tpu.memory_space<vmem_shared>>
      tpu.wait_indirect_dma semaphore(%run_scoped3A : memref<!tpu.dma_semaphore, #tpu.memory_space<semaphore_mem>>) src(%arg13 : memref<16x128xf32, #tpu.memory_space<vmem>>) dst(%dma_wait3A_38 : memref<10000x128xf32, #tpu.memory_space<vmem_shared>>)
      tpu.yield
    }) : () -> ()
    %barrier3A_20 = arith.constant 0 : index
    tpu.barrier barrier_id(%barrier3A_20)
    %mul3A_21 = arith.constant 624 : i32
    %mul3A_22 = arith.muli %arg1, %mul3A_21 : i32
    %mul3A_23 = arith.constant 10000 : i32
    %mul3A_24 = arith.muli %arg0, %mul3A_23 : i32
    %mul3A_25 = arith.constant 624 : i32
    %mul3A_26 = arith.muli %arg1, %mul3A_25 : i32
    %add3A_27 = arith.addi %mul3A_24, %mul3A_26 : i32
    "tpu.region"() ({
      %run_scoped3A = tpu.sem_alloc : memref<!tpu.dma_semaphore, #tpu.memory_space<semaphore_mem>>
      %dma_start3A_33 = arith.constant 0 : i32
      %dma_start3A_34 = tpu.memref_slice %arg6[%add3A_27, %dma_start3A_33] : memref<20000x128xf32, #tpu.memory_space<hbm>> -> memref<624x128xf32, #tpu.memory_space<hbm>>
      %dma_start3A_35 = arith.constant 0 : i32
      %dma_start3A_36 = tpu.memref_slice %arg7[%mul3A_22, %dma_start3A_35] : memref<10000x128xf32, #tpu.memory_space<vmem_shared>> -> memref<624x128xf32, #tpu.memory_space<vmem_shared>>
      tpu.enqueue_dma source(%dma_start3A_36 : memref<624x128xf32, #tpu.memory_space<vmem_shared>>) target(%dma_start3A_34 : memref<624x128xf32, #tpu.memory_space<hbm>>) target_semaphore(%run_scoped3A : memref<!tpu.dma_semaphore, #tpu.memory_space<semaphore_mem>>)
      %dma_wait3A_37 = arith.constant 0 : i32
      %dma_wait3A_38 = tpu.memref_slice %arg6[%add3A_27, %dma_wait3A_37] : memref<20000x128xf32, #tpu.memory_space<hbm>> -> memref<624x128xf32, #tpu.memory_space<hbm>>
      %dma_wait3A_39 = arith.constant 0 : i32
      %dma_wait3A_40 = tpu.memref_slice %arg7[%mul3A_22, %dma_wait3A_39] : memref<10000x128xf32, #tpu.memory_space<vmem_shared>> -> memref<624x128xf32, #tpu.memory_space<vmem_shared>>
      tpu.wait_dma2 semaphore(%run_scoped3A : memref<!tpu.dma_semaphore, #tpu.memory_space<semaphore_mem>>) src(%dma_wait3A_40 : memref<624x128xf32, #tpu.memory_space<vmem_shared>>) dst(%dma_wait3A_38 : memref<624x128xf32, #tpu.memory_space<hbm>>)
      tpu.yield
    }) : () -> ()
    %eq3A_28 = arith.constant 15 : i32
    %eq3A_29 = arith.cmpi eq, %arg1, %eq3A_28 : i32
    %convert_element_type3A_30 = arith.extui %eq3A_29 : i1 to i32
    %cond3A_31 = arith.constant 0 : i32
    %cond3A_32 = arith.cmpi ne, %convert_element_type3A_30, %cond3A_31 : i32
    scf.if %cond3A_32 {
      %mul3A_33 = arith.constant 10000 : i32
      %mul3A_34 = arith.muli %arg0, %mul3A_33 : i32
      %add3A_35 = arith.constant 9984 : i32
      %add3A_36 = arith.addi %mul3A_34, %add3A_35 : i32
      "tpu.region"() ({
        %run_scoped3A = tpu.sem_alloc : memref<!tpu.dma_semaphore, #tpu.memory_space<semaphore_mem>>
        %dma_start3A_37 = arith.constant 0 : i32
        %dma_start3A_38 = tpu.memref_slice %arg6[%add3A_36, %dma_start3A_37] : memref<20000x128xf32, #tpu.memory_space<hbm>> -> memref<16x128xf32, #tpu.memory_space<hbm>>
        %dma_start3A_39 = arith.constant 9984 : i32
        %dma_start3A_40 = arith.constant 0 : i32
        %dma_start3A_41 = tpu.memref_slice %arg7[%dma_start3A_39, %dma_start3A_40] : memref<10000x128xf32, #tpu.memory_space<vmem_shared>> -> memref<16x128xf32, #tpu.memory_space<vmem_shared>>
        tpu.enqueue_dma source(%dma_start3A_41 : memref<16x128xf32, #tpu.memory_space<vmem_shared>>) target(%dma_start3A_38 : memref<16x128xf32, #tpu.memory_space<hbm>>) target_semaphore(%run_scoped3A : memref<!tpu.dma_semaphore, #tpu.memory_space<semaphore_mem>>)
        %dma_wait3A_42 = arith.constant 0 : i32
        %dma_wait3A_43 = tpu.memref_slice %arg6[%add3A_36, %dma_wait3A_42] : memref<20000x128xf32, #tpu.memory_space<hbm>> -> memref<16x128xf32, #tpu.memory_space<hbm>>
        %dma_wait3A_44 = arith.constant 9984 : i32
        %dma_wait3A_45 = arith.constant 0 : i32
        %dma_wait3A_46 = tpu.memref_slice %arg7[%dma_wait3A_44, %dma_wait3A_45] : memref<10000x128xf32, #tpu.memory_space<vmem_shared>> -> memref<16x128xf32, #tpu.memory_space<vmem_shared>>
        tpu.wait_dma2 semaphore(%run_scoped3A : memref<!tpu.dma_semaphore, #tpu.memory_space<semaphore_mem>>) src(%dma_wait3A_46 : memref<16x128xf32, #tpu.memory_space<vmem_shared>>) dst(%dma_wait3A_43 : memref<16x128xf32, #tpu.memory_space<hbm>>)
        tpu.yield
      }) : () -> ()
    } else {
    }
    return
  }
}

module attributes {stable_mosaic.version = 14 : i64} {
  func.func @_embed_body(%arg0: i32, %arg1: memref<2000x128xf32, #tpu.memory_space<vmem>>, %arg2: memref<128x128xf32, #tpu.memory_space<vmem>>, %arg3: memref<1x128xf32, #tpu.memory_space<vmem>>, %arg4: memref<2000x128xf32, #tpu.memory_space<vmem>>) attributes {dimension_semantics = [#tpu.dimension_semantics<arbitrary>], iteration_bounds = array<i64: 5>, scalar_prefetch = 0 : i64, scratch_operands = 0 : i64, tpu.core_type = #tpu.core_type<tc>, window_params = [{transform_indices = @transform_0, window_bounds = array<i64: 2000, 128>}, {pipeline_mode = #tpu.pipeline_mode<synchronous>, transform_indices = @transform_1, window_bounds = array<i64: 128, 128>}, {pipeline_mode = #tpu.pipeline_mode<synchronous>, transform_indices = @transform_2, window_bounds = array<i64: 1, 128>}, {transform_indices = @transform_3, window_bounds = array<i64: 2000, 128>}]} {
    %get3A = arith.constant 0 : index
    %get3A_0 = arith.constant 0 : index
    %get3A_1 = vector.load %arg1[%get3A, %get3A_0] : memref<2000x128xf32, #tpu.memory_space<vmem>>, vector<2000x128xf32>
    %get3A_2 = arith.constant 0 : index
    %get3A_3 = arith.constant 0 : index
    %get3A_4 = vector.load %arg2[%get3A_2, %get3A_3] : memref<128x128xf32, #tpu.memory_space<vmem>>, vector<128x128xf32>
    %dot_general3A = arith.constant dense<0.000000e+00> : vector<2000x128xf32>
    %dot_general3A_5 = tpu.matmul %get3A_1, %get3A_4, %dot_general3A {dimension_numbers = #tpu.dot_dimension_numbers<[1], [0], [0], [1], [0, 0, 1, 1], [], []>, transpose_lhs_hint = false} : vector<2000x128xf32>, vector<128x128xf32>, vector<2000x128xf32> -> vector<2000x128xf32>
    %get3A_6 = arith.constant 0 : index
    %get3A_7 = arith.constant 0 : index
    %get3A_8 = vector.load %arg3[%get3A_6, %get3A_7] : memref<1x128xf32, #tpu.memory_space<vmem>>, vector<1x128xf32>
    %add3A = vector.broadcast %get3A_8 : vector<1x128xf32> to vector<2000x128xf32>
    %add3A_9 = arith.addf %dot_general3A_5, %add3A : vector<2000x128xf32>
    %swap3A = arith.constant 0 : index
    %swap3A_10 = arith.constant 0 : index
    %swap3A_11 = vector.load %arg4[%swap3A, %swap3A_10] : memref<2000x128xf32, #tpu.memory_space<vmem>>, vector<2000x128xf32>
    tpu.vector_store %arg4[%swap3A, %swap3A_10], %add3A_9 {strides = array<i32>} : memref<2000x128xf32, #tpu.memory_space<vmem>>, vector<2000x128xf32>,
    return
  }
  func.func @transform_0(%arg0: i32) -> (i32, i32) {
    %c0_i32 = arith.constant 0 : i32
    %c0_i32_0 = arith.constant 0 : i32
    return %arg0, %c0_i32 : i32, i32
  }
  func.func @transform_1(%arg0: i32) -> (i32, i32) {
    %c0_i32 = arith.constant 0 : i32
    %c0_i32_0 = arith.constant 0 : i32
    %c0_i32_1 = arith.constant 0 : i32
    return %c0_i32, %c0_i32_0 : i32, i32
  }
  func.func @transform_2(%arg0: i32) -> (i32, i32) {
    %c0_i32 = arith.constant 0 : i32
    %c0_i32_0 = arith.constant 0 : i32
    %c0_i32_1 = arith.constant 0 : i32
    return %c0_i32, %c0_i32_0 : i32, i32
  }
  func.func @transform_3(%arg0: i32) -> (i32, i32) {
    %c0_i32 = arith.constant 0 : i32
    %c0_i32_0 = arith.constant 0 : i32
    return %arg0, %c0_i32 : i32, i32
  }
}

module attributes {stable_mosaic.version = 14 : i64} {
  func.func @_mlp_body(%arg0: i32, %arg1: memref<2000x128xf32, #tpu.memory_space<vmem>>, %arg2: memref<128x128xf32, #tpu.memory_space<vmem>>, %arg3: memref<1x128xf32, #tpu.memory_space<vmem>>, %arg4: memref<128x128xf32, #tpu.memory_space<vmem>>, %arg5: memref<1x128xf32, #tpu.memory_space<vmem>>, %arg6: memref<2x2000x8xf32, #tpu.memory_space<vmem>>, %arg7: memref<2000x128xf32, #tpu.memory_space<vmem>>) attributes {dimension_semantics = [#tpu.dimension_semantics<arbitrary>], iteration_bounds = array<i64: 5>, scalar_prefetch = 0 : i64, scratch_operands = 0 : i64, tpu.core_type = #tpu.core_type<tc>, window_params = [{transform_indices = @transform_0, window_bounds = array<i64: 2000, 128>}, {pipeline_mode = #tpu.pipeline_mode<synchronous>, transform_indices = @transform_1, window_bounds = array<i64: 128, 128>}, {pipeline_mode = #tpu.pipeline_mode<synchronous>, transform_indices = @transform_2, window_bounds = array<i64: 1, 128>}, {pipeline_mode = #tpu.pipeline_mode<synchronous>, transform_indices = @transform_3, window_bounds = array<i64: 128, 128>}, {pipeline_mode = #tpu.pipeline_mode<synchronous>, transform_indices = @transform_4, window_bounds = array<i64: 1, 128>}, {transform_indices = @transform_5, window_bounds = array<i64: 2, 2000, 8>}, {transform_indices = @transform_6, window_bounds = array<i64: 2000, 128>}]} {
    %get3A = arith.constant 0 : index
    %get3A_0 = arith.constant 0 : index
    %get3A_1 = vector.load %arg1[%get3A, %get3A_0] : memref<2000x128xf32, #tpu.memory_space<vmem>>, vector<2000x128xf32>
    %get3A_2 = arith.constant 0 : index
    %get3A_3 = arith.constant 0 : index
    %get3A_4 = vector.load %arg2[%get3A_2, %get3A_3] : memref<128x128xf32, #tpu.memory_space<vmem>>, vector<128x128xf32>
    %dot_general3A = arith.constant dense<0.000000e+00> : vector<2000x128xf32>
    %dot_general3A_5 = tpu.matmul %get3A_1, %get3A_4, %dot_general3A {dimension_numbers = #tpu.dot_dimension_numbers<[1], [0], [0], [1], [0, 0, 1, 1], [], []>, transpose_lhs_hint = false} : vector<2000x128xf32>, vector<128x128xf32>, vector<2000x128xf32> -> vector<2000x128xf32>
    %get3A_6 = arith.constant 0 : index
    %get3A_7 = arith.constant 0 : index
    %get3A_8 = vector.load %arg3[%get3A_6, %get3A_7] : memref<1x128xf32, #tpu.memory_space<vmem>>, vector<1x128xf32>
    %add3A = vector.broadcast %get3A_8 : vector<1x128xf32> to vector<2000x128xf32>
    %add3A_9 = arith.addf %dot_general3A_5, %add3A : vector<2000x128xf32>
    %max3A = arith.constant 0.000000e+00 : f32
    %max3A_10 = vector.broadcast %max3A : f32 to vector<2000x128xf32>
    %max3A_11 = arith.maximumf %add3A_9, %max3A_10 : vector<2000x128xf32>
    %get3A_12 = arith.constant 0 : index
    %get3A_13 = arith.constant 0 : index
    %get3A_14 = vector.load %arg4[%get3A_12, %get3A_13] : memref<128x128xf32, #tpu.memory_space<vmem>>, vector<128x128xf32>
    %dot_general3A_15 = arith.constant dense<0.000000e+00> : vector<2000x128xf32>
    %dot_general3A_16 = tpu.matmul %max3A_11, %get3A_14, %dot_general3A_15 {dimension_numbers = #tpu.dot_dimension_numbers<[1], [0], [0], [1], [0, 0, 1, 1], [], []>, transpose_lhs_hint = false} : vector<2000x128xf32>, vector<128x128xf32>, vector<2000x128xf32> -> vector<2000x128xf32>
    %get3A_17 = arith.constant 0 : index
    %get3A_18 = arith.constant 0 : index
    %get3A_19 = vector.load %arg5[%get3A_17, %get3A_18] : memref<1x128xf32, #tpu.memory_space<vmem>>, vector<1x128xf32>
    %add3A_20 = vector.broadcast %get3A_19 : vector<1x128xf32> to vector<2000x128xf32>
    %add3A_21 = arith.addf %dot_general3A_16, %add3A_20 : vector<2000x128xf32>
    %get3A_22 = arith.constant 0 : index
    %get3A_23 = arith.constant 0 : index
    %get3A_24 = arith.constant 0 : index
    %get3A_25 = vector.load %arg6[%get3A_22, %get3A_23, %get3A_24] : memref<2x2000x8xf32, #tpu.memory_space<vmem>>, vector<1x2000x8xf32>
    %get3A_26 = vector.shape_cast %get3A_25 : vector<1x2000x8xf32> to vector<2000x8xf32>
    %get3A_27 = arith.constant 1 : index
    %get3A_28 = arith.constant 0 : index
    %get3A_29 = arith.constant 0 : index
    %get3A_30 = vector.load %arg6[%get3A_27, %get3A_28, %get3A_29] : memref<2x2000x8xf32, #tpu.memory_space<vmem>>, vector<1x2000x8xf32>
    %get3A_31 = vector.shape_cast %get3A_30 : vector<1x2000x8xf32> to vector<2000x8xf32>
    %add3A_32 = arith.addf %get3A_26, %get3A_31 : vector<2000x8xf32>
    %slice3A = vector.extract_strided_slice %add3A_32 {offsets = [0, 0], sizes = [2000, 1], strides = [1, 1]} : vector<2000x8xf32> to vector<2000x1xf32>
    %add3A_33 = arith.constant 1.000000e+00 : f32
    %add3A_34 = vector.broadcast %add3A_33 : f32 to vector<2000x1xf32>
    %add3A_35 = arith.addf %slice3A, %add3A_34 : vector<2000x1xf32>
    %rsqrt3A = math.rsqrt %add3A_35 : vector<2000x1xf32>
    %mul3A = vector.broadcast %rsqrt3A : vector<2000x1xf32> to vector<2000x128xf32>
    %mul3A_36 = arith.mulf %add3A_21, %mul3A : vector<2000x128xf32>
    %swap3A = arith.constant 0 : index
    %swap3A_37 = arith.constant 0 : index
    %swap3A_38 = vector.load %arg7[%swap3A, %swap3A_37] : memref<2000x128xf32, #tpu.memory_space<vmem>>, vector<2000x128xf32>
    tpu.vector_store %arg7[%swap3A, %swap3A_37], %mul3A_36 {strides = array<i32>} : memref<2000x128xf32, #tpu.memory_space<vmem>>, vector<2000x128xf32>,
    return
  }
  func.func @transform_0(%arg0: i32) -> (i32, i32) {
    %c0_i32 = arith.constant 0 : i32
    %c0_i32_0 = arith.constant 0 : i32
    return %arg0, %c0_i32 : i32, i32
  }
  func.func @transform_1(%arg0: i32) -> (i32, i32) {
    %c0_i32 = arith.constant 0 : i32
    %c0_i32_0 = arith.constant 0 : i32
    %c0_i32_1 = arith.constant 0 : i32
    return %c0_i32, %c0_i32_0 : i32, i32
  }
  func.func @transform_2(%arg0: i32) -> (i32, i32) {
    %c0_i32 = arith.constant 0 : i32
    %c0_i32_0 = arith.constant 0 : i32
    %c0_i32_1 = arith.constant 0 : i32
    return %c0_i32, %c0_i32_0 : i32, i32
  }
  func.func @transform_3(%arg0: i32) -> (i32, i32) {
    %c0_i32 = arith.constant 0 : i32
    %c0_i32_0 = arith.constant 0 : i32
    %c0_i32_1 = arith.constant 0 : i32
    return %c0_i32, %c0_i32_0 : i32, i32
  }
  func.func @transform_4(%arg0: i32) -> (i32, i32) {
    %c0_i32 = arith.constant 0 : i32
    %c0_i32_0 = arith.constant 0 : i32
    %c0_i32_1 = arith.constant 0 : i32
    return %c0_i32, %c0_i32_0 : i32, i32
  }
  func.func @transform_5(%arg0: i32) -> (i32, i32, i32) {
    %c0_i32 = arith.constant 0 : i32
    %c0_i32_0 = arith.constant 0 : i32
    %c0_i32_1 = arith.constant 0 : i32
    return %c0_i32, %arg0, %c0_i32_0 : i32, i32, i32
  }
  func.func @transform_6(%arg0: i32) -> (i32, i32) {
    %c0_i32 = arith.constant 0 : i32
    %c0_i32_0 = arith.constant 0 : i32
    return %arg0, %c0_i32 : i32, i32
  }
}

module attributes {stable_mosaic.version = 14 : i64} {
  func.func @_update_body(%arg0: i32, %arg1: memref<2000x128xf32, #tpu.memory_space<vmem>>, %arg2: memref<2x2000x128xf32, #tpu.memory_space<vmem>>, %arg3: memref<2000x128xf32, #tpu.memory_space<vmem>>, %arg4: memref<2x2000x8xf32, #tpu.memory_space<vmem>>, %arg5: memref<1x128xf32, #tpu.memory_space<vmem>>, %arg6: memref<1x128xf32, #tpu.memory_space<vmem>>, %arg7: memref<2000x128xf32, #tpu.memory_space<vmem>>) attributes {dimension_semantics = [#tpu.dimension_semantics<arbitrary>], iteration_bounds = array<i64: 5>, scalar_prefetch = 0 : i64, scratch_operands = 0 : i64, tpu.core_type = #tpu.core_type<tc>, window_params = [{transform_indices = @transform_0, window_bounds = array<i64: 2000, 128>}, {transform_indices = @transform_1, window_bounds = array<i64: 2, 2000, 128>}, {transform_indices = @transform_2, window_bounds = array<i64: 2000, 128>}, {transform_indices = @transform_3, window_bounds = array<i64: 2, 2000, 8>}, {pipeline_mode = #tpu.pipeline_mode<synchronous>, transform_indices = @transform_4, window_bounds = array<i64: 1, 128>}, {pipeline_mode = #tpu.pipeline_mode<synchronous>, transform_indices = @transform_5, window_bounds = array<i64: 1, 128>}, {transform_indices = @transform_6, window_bounds = array<i64: 2000, 128>}]} {
    %get3A = arith.constant 0 : index
    %get3A_0 = arith.constant 0 : index
    %get3A_1 = arith.constant 0 : index
    %get3A_2 = vector.load %arg2[%get3A, %get3A_0, %get3A_1] : memref<2x2000x128xf32, #tpu.memory_space<vmem>>, vector<1x2000x128xf32>
    %get3A_3 = vector.shape_cast %get3A_2 : vector<1x2000x128xf32> to vector<2000x128xf32>
    %get3A_4 = arith.constant 1 : index
    %get3A_5 = arith.constant 0 : index
    %get3A_6 = arith.constant 0 : index
    %get3A_7 = vector.load %arg2[%get3A_4, %get3A_5, %get3A_6] : memref<2x2000x128xf32, #tpu.memory_space<vmem>>, vector<1x2000x128xf32>
    %get3A_8 = vector.shape_cast %get3A_7 : vector<1x2000x128xf32> to vector<2000x128xf32>
    %add3A = arith.addf %get3A_3, %get3A_8 : vector<2000x128xf32>
    %get3A_9 = arith.constant 0 : index
    %get3A_10 = arith.constant 0 : index
    %get3A_11 = vector.load %arg3[%get3A_9, %get3A_10] : memref<2000x128xf32, #tpu.memory_space<vmem>>, vector<2000x128xf32>
    %add3A_12 = arith.addf %add3A, %get3A_11 : vector<2000x128xf32>
    %get3A_13 = arith.constant 0 : index
    %get3A_14 = arith.constant 0 : index
    %get3A_15 = arith.constant 0 : index
    %get3A_16 = vector.load %arg4[%get3A_13, %get3A_14, %get3A_15] : memref<2x2000x8xf32, #tpu.memory_space<vmem>>, vector<1x2000x8xf32>
    %get3A_17 = vector.shape_cast %get3A_16 : vector<1x2000x8xf32> to vector<2000x8xf32>
    %get3A_18 = arith.constant 1 : index
    %get3A_19 = arith.constant 0 : index
    %get3A_20 = arith.constant 0 : index
    %get3A_21 = vector.load %arg4[%get3A_18, %get3A_19, %get3A_20] : memref<2x2000x8xf32, #tpu.memory_space<vmem>>, vector<1x2000x8xf32>
    %get3A_22 = vector.shape_cast %get3A_21 : vector<1x2000x8xf32> to vector<2000x8xf32>
    %add3A_23 = arith.addf %get3A_17, %get3A_22 : vector<2000x8xf32>
    %slice3A = vector.extract_strided_slice %add3A_23 {offsets = [0, 0], sizes = [2000, 1], strides = [1, 1]} : vector<2000x8xf32> to vector<2000x1xf32>
    %add3A_24 = arith.constant 1.000000e+00 : f32
    %add3A_25 = vector.broadcast %add3A_24 : f32 to vector<2000x1xf32>
    %add3A_26 = arith.addf %slice3A, %add3A_25 : vector<2000x1xf32>
    %rsqrt3A = math.rsqrt %add3A_26 : vector<2000x1xf32>
    %get3A_27 = arith.constant 0 : index
    %get3A_28 = arith.constant 0 : index
    %get3A_29 = vector.load %arg1[%get3A_27, %get3A_28] : memref<2000x128xf32, #tpu.memory_space<vmem>>, vector<2000x128xf32>
    %mul3A = vector.broadcast %rsqrt3A : vector<2000x1xf32> to vector<2000x128xf32>
    %mul3A_30 = arith.mulf %add3A_12, %mul3A : vector<2000x128xf32>
    %add3A_31 = arith.addf %get3A_29, %mul3A_30 : vector<2000x128xf32>
    %reduce_sum3A = arith.constant dense<0.000000e+00> : vector<2000xf32>
    %reduce_sum3A_32 = vector.multi_reduction <add>, %add3A_31, %reduce_sum3A [1] : vector<2000x128xf32> to vector<2000xf32>
    %broadcast_in_dim3A = vector.shape_cast %reduce_sum3A_32 : vector<2000xf32> to vector<2000x1xf32>
    %div3A = arith.constant 1.280000e+02 : f32
    %div3A_33 = vector.broadcast %div3A : f32 to vector<2000x1xf32>
    %div3A_34 = arith.divf %broadcast_in_dim3A, %div3A_33 : vector<2000x1xf32>
    %sub3A = vector.broadcast %div3A_34 : vector<2000x1xf32> to vector<2000x128xf32>
    %sub3A_35 = arith.subf %add3A_31, %sub3A : vector<2000x128xf32>
    %square3A = arith.mulf %sub3A_35, %sub3A_35 : vector<2000x128xf32>
    %reduce_sum3A_36 = arith.constant dense<0.000000e+00> : vector<2000xf32>
    %reduce_sum3A_37 = vector.multi_reduction <add>, %square3A, %reduce_sum3A_36 [1] : vector<2000x128xf32> to vector<2000xf32>
    %broadcast_in_dim3A_38 = vector.shape_cast %reduce_sum3A_37 : vector<2000xf32> to vector<2000x1xf32>
    %div3A_39 = arith.constant 1.280000e+02 : f32
    %div3A_40 = vector.broadcast %div3A_39 : f32 to vector<2000x1xf32>
    %div3A_41 = arith.divf %broadcast_in_dim3A_38, %div3A_40 : vector<2000x1xf32>
    %sub3A_42 = vector.broadcast %div3A_34 : vector<2000x1xf32> to vector<2000x128xf32>
    %sub3A_43 = arith.subf %add3A_31, %sub3A_42 : vector<2000x128xf32>
    %add3A_44 = arith.constant 9.99999997E-7 : f32
    %add3A_45 = vector.broadcast %add3A_44 : f32 to vector<2000x1xf32>
    %add3A_46 = arith.addf %div3A_41, %add3A_45 : vector<2000x1xf32>
    %rsqrt3A_47 = math.rsqrt %add3A_46 : vector<2000x1xf32>
    %mul3A_48 = vector.broadcast %rsqrt3A_47 : vector<2000x1xf32> to vector<2000x128xf32>
    %mul3A_49 = arith.mulf %sub3A_43, %mul3A_48 : vector<2000x128xf32>
    %get3A_50 = arith.constant 0 : index
    %get3A_51 = arith.constant 0 : index
    %get3A_52 = vector.load %arg5[%get3A_50, %get3A_51] : memref<1x128xf32, #tpu.memory_space<vmem>>, vector<1x128xf32>
    %mul3A_53 = vector.broadcast %get3A_52 : vector<1x128xf32> to vector<2000x128xf32>
    %mul3A_54 = arith.mulf %mul3A_49, %mul3A_53 : vector<2000x128xf32>
    %get3A_55 = arith.constant 0 : index
    %get3A_56 = arith.constant 0 : index
    %get3A_57 = vector.load %arg6[%get3A_55, %get3A_56] : memref<1x128xf32, #tpu.memory_space<vmem>>, vector<1x128xf32>
    %add3A_58 = vector.broadcast %get3A_57 : vector<1x128xf32> to vector<2000x128xf32>
    %add3A_59 = arith.addf %mul3A_54, %add3A_58 : vector<2000x128xf32>
    %swap3A = arith.constant 0 : index
    %swap3A_60 = arith.constant 0 : index
    %swap3A_61 = vector.load %arg7[%swap3A, %swap3A_60] : memref<2000x128xf32, #tpu.memory_space<vmem>>, vector<2000x128xf32>
    tpu.vector_store %arg7[%swap3A, %swap3A_60], %add3A_59 {strides = array<i32>} : memref<2000x128xf32, #tpu.memory_space<vmem>>, vector<2000x128xf32>,
    return
  }
  func.func @transform_0(%arg0: i32) -> (i32, i32) {
    %c0_i32 = arith.constant 0 : i32
    %c0_i32_0 = arith.constant 0 : i32
    return %arg0, %c0_i32 : i32, i32
  }
  func.func @transform_1(%arg0: i32) -> (i32, i32, i32) {
    %c0_i32 = arith.constant 0 : i32
    %c0_i32_0 = arith.constant 0 : i32
    %c0_i32_1 = arith.constant 0 : i32
    return %c0_i32, %arg0, %c0_i32_0 : i32, i32, i32
  }
  func.func @transform_2(%arg0: i32) -> (i32, i32) {
    %c0_i32 = arith.constant 0 : i32
    %c0_i32_0 = arith.constant 0 : i32
    return %arg0, %c0_i32 : i32, i32
  }
  func.func @transform_3(%arg0: i32) -> (i32, i32, i32) {
    %c0_i32 = arith.constant 0 : i32
    %c0_i32_0 = arith.constant 0 : i32
    %c0_i32_1 = arith.constant 0 : i32
    return %c0_i32, %arg0, %c0_i32_0 : i32, i32, i32
  }
  func.func @transform_4(%arg0: i32) -> (i32, i32) {
    %c0_i32 = arith.constant 0 : i32
    %c0_i32_0 = arith.constant 0 : i32
    %c0_i32_1 = arith.constant 0 : i32
    return %c0_i32, %c0_i32_0 : i32, i32
  }
  func.func @transform_5(%arg0: i32) -> (i32, i32) {
    %c0_i32 = arith.constant 0 : i32
    %c0_i32_0 = arith.constant 0 : i32
    %c0_i32_1 = arith.constant 0 : i32
    return %c0_i32, %c0_i32_0 : i32, i32
  }
  func.func @transform_6(%arg0: i32) -> (i32, i32) {
    %c0_i32 = arith.constant 0 : i32
    %c0_i32_0 = arith.constant 0 : i32
    return %arg0, %c0_i32 : i32, i32
  }
}

module attributes {stable_mosaic.version = 14 : i64} {
  func.func @_pool_body(%arg0: memref<10000x128xf32, #tpu.memory_space<vmem>>, %arg1: memref<8x10000xf32, #tpu.memory_space<vmem>>, %arg2: memref<8x1xf32, #tpu.memory_space<vmem>>, %arg3: memref<128x64xf32, #tpu.memory_space<vmem>>, %arg4: memref<1x64xf32, #tpu.memory_space<vmem>>, %arg5: memref<8x64xf32, #tpu.memory_space<vmem>>) attributes {dimension_semantics = [], scalar_prefetch = 0 : i64, scratch_operands = 0 : i64, tpu.core_type = #tpu.core_type<tc>} {
    %get3A = arith.constant 0 : index
    %get3A_0 = arith.constant 0 : index
    %get3A_1 = vector.load %arg1[%get3A, %get3A_0] : memref<8x10000xf32, #tpu.memory_space<vmem>>, vector<8x10000xf32>
    %get3A_2 = arith.constant 0 : index
    %get3A_3 = arith.constant 0 : index
    %get3A_4 = vector.load %arg0[%get3A_2, %get3A_3] : memref<10000x128xf32, #tpu.memory_space<vmem>>, vector<10000x128xf32>
    %dot_general3A = arith.constant dense<0.000000e+00> : vector<8x128xf32>
    %dot_general3A_5 = tpu.matmul %get3A_1, %get3A_4, %dot_general3A {dimension_numbers = #tpu.dot_dimension_numbers<[1], [0], [0], [1], [0, 0, 1, 1], [], []>, transpose_lhs_hint = false} : vector<8x10000xf32>, vector<10000x128xf32>, vector<8x128xf32> -> vector<8x128xf32>
    %get3A_6 = arith.constant 0 : index
    %get3A_7 = arith.constant 0 : index
    %get3A_8 = vector.load %arg2[%get3A_6, %get3A_7] : memref<8x1xf32, #tpu.memory_space<vmem>>, vector<8x1xf32>
    %div3A = vector.broadcast %get3A_8 : vector<8x1xf32> to vector<8x128xf32>
    %div3A_9 = arith.divf %dot_general3A_5, %div3A : vector<8x128xf32>
    %get3A_10 = arith.constant 0 : index
    %get3A_11 = arith.constant 0 : index
    %get3A_12 = vector.load %arg3[%get3A_10, %get3A_11] : memref<128x64xf32, #tpu.memory_space<vmem>>, vector<128x64xf32>
    %dot_general3A_13 = arith.constant dense<0.000000e+00> : vector<8x64xf32>
    %dot_general3A_14 = tpu.matmul %div3A_9, %get3A_12, %dot_general3A_13 {dimension_numbers = #tpu.dot_dimension_numbers<[1], [0], [0], [1], [0, 0, 1, 1], [], []>, transpose_lhs_hint = false} : vector<8x128xf32>, vector<128x64xf32>, vector<8x64xf32> -> vector<8x64xf32>
    %get3A_15 = arith.constant 0 : index
    %get3A_16 = arith.constant 0 : index
    %get3A_17 = vector.load %arg4[%get3A_15, %get3A_16] : memref<1x64xf32, #tpu.memory_space<vmem>>, vector<1x64xf32>
    %add3A = vector.broadcast %get3A_17 : vector<1x64xf32> to vector<8x64xf32>
    %add3A_18 = arith.addf %dot_general3A_14, %add3A : vector<8x64xf32>
    %swap3A = arith.constant 0 : index
    %swap3A_19 = arith.constant 0 : index
    %swap3A_20 = vector.load %arg5[%swap3A, %swap3A_19] : memref<8x64xf32, #tpu.memory_space<vmem>>, vector<8x64xf32>
    tpu.vector_store %arg5[%swap3A, %swap3A_19], %add3A_18 {strides = array<i32>} : memref<8x64xf32, #tpu.memory_space<vmem>>, vector<8x64xf32>,
    return
  }
}

</mosaic_0001>

<sc_bundles>
// kernel: kernel.11.cloned.1.call-start
scs
__scs_entry_jumppad:
0x0: {  	(pc) =	sbr.rel $0x88, $3  }
0x1: {  	(tag) =	ssettag $0x0;
	lr =	simm.s32 $0x1  }
0x2: {  	[smem:$0x3F93] =	sst lr;
	_ =	strace $0xD0000000  }
0x3: {  	_ = 	snop  }
0x4: {  	_ = 	snop  }
0x5: {  	_ = 	snop  }
0x6: {  	_ = 	snop  }
0x7: {  	_ = 	snop  }
__scs_overlays_trampoline_lowered:
0x8: {  	[smem:$0x3FA2] =	sst s0  }
0x9: {  	[smem:$0x3FA3] =	sst s1  }
0xa: {  	[smem:$0x3FA4] =	sst s2  }
0xb: {  	[smem:$0x3FA5] =	sst s3  }
0xc: {  	[smem:$0x3FA6] =	sst s4  }
0xd: {  	[smem:$0x3FA7] =	sst s5  }
0xe: {  	[smem:$0x3FA8] =	sst s6  }
0xf: {  	[smem:$0x3FA9] =	sst s7  }
0x10: {  	[smem:$0x3FAA] =	sst s8  }
0x11: {  	[smem:$0x3FAB] =	sst s9;
	s0 =	simm.s32 @!p0 $0x0  }
0x12: {  	s1 =	sld [smem:$0x3F91];
	s0 =	simm.s32 @p0 $0x1  }
0x13: {  	[smem:$0x3FAC] =	sst s0;
	s0 =	simm.s32 @!p1 $0x0  }
0x14: {  	s2 =	sld [smem:$0x3F90];
	s0 =	simm.s32 @p1 $0x1  }
0x15: {  	[smem:$0x3FAD] =	sst s0;
	s0 =	simm.s32 @!p2 $0x0  }
0x16: {  	s3 =	sld [smem:$0x3FDB];
	s0 =	simm.s32 @p2 $0x1  }
0x17: {  	s4 =	simm.s32 $0x1BF5;
	[smem:$0x3FAF] =	sst s0  }
0x18: {  	s0 =	sld [smem:$0x3F92];
	_ =	swait.ge [sflag:s4], $0x0  }
0x19: {  	s7 =	sld [smem:$0x3F93]  }
0x1a: {  	s8 =	sadd.s32 $0xFFFFE003, lr  }
0x1b: {  	s9 =	sadd.s32 $0xFFFFFEF7, lr;
	s5 =	simm.s32 $0xFFFFFFFF;
	p2 =	slt.u32 s8, $0xFFFFF086  }
0x1c: {  	p1 =	slt.u32 s9, $0xF7A;
	s5 =	simm.s32 @!p2 $0x0  }
0x1d: {  	s5 =	simm.s32 @p1 $0x1;
	p0 =	seq.s32 s7, s2  }
0x1e: {  	s7 =	smul.u32 @!p0 $0xF7A, s2;
	p2 =	seq.s32 @!p0 s5, $0x0  }
0x1f: {  	s9 =	smul.u32 $0xF7A, s1;
	s8 =	simm.s32 @!p0 $0x1BF5;
	p2 =	por !p2, p0  }
0x20: {  	[sflag:s8] =	ssyncset.s32 @!p0 $0xFFFFF086;
	s6 =	sadd.s32 @!p0 s3, s7;
	s7 =	simm.s32 @!p0 $0x108  }
0x21: {  	s3 =	sadd.s32 s3, s9;
	s6 =	sadd.s32 @!p0 $0x88, s6;
	s7 =	simm.s32 @p2 $0x1082  }
0x22: {  	[simem:s7], [sflag:s8] =	dma.local @!p0 [hbm:s6], $0xF7A  }
0x23: {  	s9 =	sor.u32 $0xD0000000, s2;
	s6 =	simm.s32 $0x108;
	_ =	swait.ge @!p0 [sflag:s8], $0x0  }
0x24: {  	s3 =	sadd.s32 $0x88, s3;
	s6 =	simm.s32 @!p1 $0x1082;
	[sflag:s4] =	ssyncset.s32 $0xFFFFF086  }
0x25: {  	[simem:s6], [sflag:s4] =	dma.local [hbm:s3], $0xF7A  }
0x26: {  	[smem:$0x3F93] =	sst s1;
	(tag) =	ssettag s2;
	_ =	strace s9  }
0x27: {  	s1 =	sld [smem:$0x3FA3]  }
0x28: {  	s2 =	sld [smem:$0x3FA4]  }
0x29: {  	s4 =	sld [smem:$0x3FA6]  }
0x2a: {  	p0 =	seq.s32 s5, $0x0;
	s5 =	sld [smem:$0x3FA7]  }
0x2b: {  	s6 =	sld [smem:$0x3FA8]  }
0x2c: {  	s7 =	sld [smem:$0x3FA9]  }
0x2d: {  	s3 =	simm.s32 $0x108;
	s8 =	sld [smem:$0x3FAA]  }
0x2e: {  	s3 =	simm.s32 @!p0 $0x1082;
	s9 =	sld [smem:$0x3FAB]  }
0x2f: {  	lr =	sadd.s32 s0, s3;
	s0 =	sld [smem:$0x3FA2]  }
0x30: {  	s3 =	sld [smem:$0x3FA5]  }
0x31: {  	[smem:$0x3FAE] =	sst s10  }
0x32: {  	s10 =	sld [smem:$0x3FAC];
	_ =	sdelay $0x3  }
0x33: {  	p0 =	seq.s32 s10, $0x1;
	s10 =	sld [smem:$0x3FAE];
	_ =	sdelay $0x3  }
0x34: {  	[smem:$0x3FAE] =	sst s10  }
0x35: {  	s10 =	sld [smem:$0x3FAD];
	_ =	sdelay $0x3  }
0x36: {  	p1 =	seq.s32 s10, $0x1;
	s10 =	sld [smem:$0x3FAE];
	_ =	sdelay $0x3  }
0x37: {  	[smem:$0x3FAE] =	sst s10  }
0x38: {  	s10 =	sld [smem:$0x3FAF]  }
0x39: {  	_ = 	snop;
	(pc) =	sbr.ind lr, $3  }
0x3a: {  	_ = 	snop  }
0x3b: {  	_ = 	snop  }
0x3c: {  	p2 =	seq.s32 s10, $0x1;
	s10 =	sld [smem:$0x3FAE]  }
0x3d: {  	_ =	shalt  }
0x3e: {  	_ =	shalt  }
0x3f: {  	_ =	shalt  }
0x40: {  	_ =	shalt  }
0x41: {  	_ =	shalt  }
0x42: {  	_ =	shalt  }
0x43: {  	_ =	shalt  }
0x44: {  	_ =	shalt  }
0x45: {  	_ =	shalt  }
0x46: {  	_ =	shalt  }
0x47: {  	_ =	shalt  }
0x48: {  	_ =	shalt  }
0x49: {  	_ =	shalt  }
0x4a: {  	_ =	shalt  }
0x4b: {  	_ =	shalt  }
0x4c: {  	_ =	shalt  }
0x4d: {  	_ =	shalt  }
0x4e: {  	_ =	shalt  }
0x4f: {  	_ =	shalt  }
0x50: {  	_ =	shalt  }
0x51: {  	_ =	shalt  }
0x52: {  	_ =	shalt  }
0x53: {  	_ =	shalt  }
0x54: {  	_ =	shalt  }
0x55: {  	_ =	shalt  }
0x56: {  	_ =	shalt  }
0x57: {  	_ =	shalt  }
0x58: {  	_ =	shalt  }
0x59: {  	_ =	shalt  }
0x5a: {  	_ =	shalt  }
0x5b: {  	_ =	shalt  }
0x5c: {  	_ =	shalt  }
0x5d: {  	_ =	shalt  }
0x5e: {  	_ =	shalt  }
0x5f: {  	_ =	shalt  }
0x60: {  	_ =	shalt  }
0x61: {  	_ =	shalt  }
0x62: {  	_ =	shalt  }
0x63: {  	_ =	shalt  }
0x64: {  	_ =	shalt  }
0x65: {  	_ =	shalt  }
0x66: {  	_ =	shalt  }
0x67: {  	_ =	shalt  }
0x68: {  	_ =	shalt  }
0x69: {  	_ =	shalt  }
0x6a: {  	_ =	shalt  }
0x6b: {  	_ =	shalt  }
0x6c: {  	_ =	shalt  }
0x6d: {  	_ =	shalt  }
0x6e: {  	_ =	shalt  }
0x6f: {  	_ =	shalt  }
0x70: {  	_ =	shalt  }
0x71: {  	_ =	shalt  }
0x72: {  	_ =	shalt  }
0x73: {  	_ =	shalt  }
0x74: {  	_ =	shalt  }
0x75: {  	_ =	shalt  }
0x76: {  	_ =	shalt  }
0x77: {  	_ =	shalt  }
0x78: {  	_ =	shalt  }
0x79: {  	_ =	shalt  }
0x7a: {  	_ =	shalt  }
0x7b: {  	_ =	shalt  }
0x7c: {  	_ =	shalt  }
0x7d: {  	_ =	shalt  }
0x7e: {  	_ =	shalt  }
0x7f: {  	_ =	shalt  }
0x80: {  	_ =	shalt  }
0x81: {  	_ =	shalt  }
0x82: {  	_ =	shalt  }
0x83: {  	_ =	shalt  }
0x84: {  	_ =	shalt  }
0x85: {  	_ =	shalt  }
0x86: {  	_ =	shalt  }
0x87: {  	_ =	shalt  }
.Lfunc_end0:
.L_simem_size_0:
called_computation_lowered:
.L_overlay_start_0:
0x88: {  	s2 =	sld [smem:$0x3FD9]  }
0x89: {  	s3 =	sld [smem:$0x3FFE];
	_ =	sdelay $0x1  }
0x8a: {  	s1 =	srdreg.scid  }
0x8b: {  	s0 =	sand.u32 $0x1, s1  }
0x8c: {  	s17 =	sshll.u32 s0, $0xA;
	s2 =	sadd.s32 s3, s2  }
0x8d: {  	s2 =	sadd.s32 s2, s17  }
0x8e: {  	[smem:$0x3FBA] =	sst s2  }
0x8f: {  	_ = 	snop  }
0x90: {  	s2 =	sld [smem:$0x3FD0];
	(tm) =	ssettm $0x1  }
0x91: {  	s18 =	sld [smem:$0x3FFB];
	_ =	sdelay $0x3  }
0x92: {  	_ =	strace s18  }
0x93: {  	s3 =	sld [smem:$0x3FFC];
	_ =	sdelay $0x3  }
0x94: {  	_ =	strace s3  }
0x95: {  	s3 =	sld [smem:$0x3FFD];
	_ =	sdelay $0x3  }
0x96: {  	_ =	strace s3  }
0x97: {  	_ =	strace $0x8FFFFFFF  }
0x98: {  	s19 =	sld [smem:$0x3FDB];
	_ =	sdelay $0x1  }
0x99: {  	s4 =	simm.s32 $_scs_section_size  }
0x9a: {  	s5 =	simm.s32 $_size__tile_overlayer_lowered;
	s6 =	simm.s32 $_tile_overlayer_lowered  }
0x9b: {  	s22 =	simm.s32 $0x1BFF;
	s21 =	sshll.u32 s6, $0x1;
	s3 =	sadd.s32 s4, s19  }
0x9c: {  	s7 =	simm.s32 $0x0;
	s20 =	sshll.u32 s5, $0x1;
	s5 =	sadd.s32 s21, s3  }
0x9d: {  	[timem:s7], [sflag:s22] =	dma.local [hbm:s5], s20  }
0x9e: {  	_ =	swait.ge [sflag:s22], s20  }
0x9f: {  	s4 =	ssub.s32 $0x0, s20;
	[sflag:s22] =	ssyncset.done $0x0  }
0xa0: {  	[sflag:s22] =	ssyncadd.s32 s4;
	_ =	sdelay $0x1  }
0xa1: {  	s23 =	simm.s32 $0x1B8B  }
0xa2: {  	_ =	swait.ge [sflag:s23], $0x1  }
0xa3: {  	[sflag:s23] =	ssyncset.done $0x0  }
0xa4: {  	s25 =	simm.s32 $0x1B8E;
	s24 =	sld [smem:$0x3FFE];
	[sflag:s23] =	ssyncadd.s32 $0xFFFFFFFF  }
0xa5: {  	s26 =	simm.s32 $execute0_lowered;
	[smem:$0x3FD2] =	sst s25  }
0xa6: {  	s5 =	sshll.u32 s26, $0x1;
	_ =	strace $0x80000046;
	[dreg:$0x1] =	wrdreg $0xFFFFFFFF  }
0xa7: {  	s28 =	simm.s32 $_size_execute0_lowered;
	s3 =	sadd.s32 s3, s5;
	[dreg:$0x0] =	wrdreg $0x0  }
0xa8: {  	s5 =	sshll.u32 s28, $0x1;
	[dreg:$0x2] =	wrdreg s3  }
0xa9: {  	[dreg:$0x3] =	wrdreg s5  }
0xaa: {  	[dreg:$0x4] =	wrdreg $0xC0  }
0xab: {  	_ =	task [dreg:s7], $0x5FFFF  }
0xac: {  	[dreg:$0x1] =	wrdreg $0xFFFFFFFF  }
0xad: {  	[dreg:$0x0] =	wrdreg $0x60  }
0xae: {  	[dreg:$0x2] =	wrdreg s24  }
0xaf: {  	[dreg:$0x3] =	wrdreg s2  }
0xb0: {  	[dreg:$0x4] =	wrdreg $0x0  }
0xb1: {  	[dreg:$0x5] =	wrdreg $0x13900  }
0xb2: {  	[dreg:$0x6] =	wrdreg $0x9  }
0xb3: {  	_ =	task.clear_ibuf [dreg:s7], $0x7FFFF;
	_ =	strace $0x90000046  }
0xb4: {  	s29 =	simm.s32 $0x9;
	_ =	strace $0x80000048  }
0xb5: {  	_ =	swait.ge [sflag:s29], $0x1  }
0xb6: {  	[sflag:s29] =	ssyncadd.s32 $0xFFFFFFFF  }
0xb7: {  	_ =	strace $0x90000048  }
0xb8: {  	_ =	sfence  }
0xb9: {  	s30 =	sld [smem:$0x0];
	_ =	sdelay $0x2  }
0xba: {  	s31 =	sshll.u32 s1, $0xD;
	s1 =	sshrl.u32 s1, $0x2  }
0xbb: {  	s3 =	sand.u32 $0x4000, s31;
	s1 =	sadd.s32 s1, s30  }
0xbc: {  	s0 =	sor.u32 s3, s0;
	s1 =	sshll.u32 s1, $0x11  }
0xbd: {  	s0 =	sor.u32 s1, s0  }
0xbe: {  	s0 =	sadd.s32 $0x8F2B, s0  }
0xbf: {  	[sflag:s0] =	ssyncadd.remote.s32 $0x1  }
0xc0: {  	_ =	sfence.sel $0xFFFF  }
0xc1: {  	[dreg:$0x0] =	wrdreg $0xFFFFFFFF;
	(pc) =	sbr.abs _section_cstart, $3  }
0xc2: {  	[dreg:$0x1] =	wrdreg $0xFFFFFFFF  }
0xc3: {  	_ =	task.clear_ibuf [dreg:s7], $0x2FFFF;
	_ =	strace $0x9FFFFFFF  }
0xc4: {  	(tm) =	ssettm $0x7FFFFFFF  }
0xc5: {  	_ =	shalt  }
tec
execute0_lowered:
.L_overlay_start_1:
0x0: {  	(tag) =	ssettag $0x1  }
0x1: {  	s0 =	rddreg [dreg:$0x0]  }
0x2: {  	s1 =	rddreg [dreg:$0x1]  }
0x3: {  	s2 =	rddreg [dreg:$0x2];
	s3 =	srdreg.scid  }
0x4: {  	s4 =	rddreg [dreg:$0x3];
	s25 =	stileid.u32;
	s5 =	simm.s32 $0x0  }
0x5: {  	s21 =	simm.s32 $0x2720;
	s22 =	simm.s32 $0x4FA0;
	s23 =	simm.s32 $0x7820  }
0x6: {  	s24 =	simm.s32 $0x80;
	s10 =	sand.u32 $0x1, s3;
	s8 =	smul.u32 $0x1380, s25  }
0x7: {  	[smem:$0x7FF] =	sst s5;
	s16 =	sadd.s32 $0x19600, s0;
	s17 =	sadd.s32 $0x1E600, s0  }
0x8: {  	s14 =	smul.u32 $0x270, s25;
	s29 =	sshll.u32 s25, $0x6;
	s11 =	sadd.s32 $0x13800, s4  }
0x9: {  	p0 =	sne.s32 s25, $0xF;
	s6 =	sshll.u32 s10, $0x4;
	s15 =	smul.u32 $0x2710, s10  }
0xa: {  	_ =	strace $0x80000047;
	s9 =	ssub.s32 $0x2, s10;
	s20 =	smul.u32 $0x13880, s10  }
0xb: {  	s10 =	sadd.s32 $0x19500, s0;
	s6 =	sor.u32 s25, s6;
	s7 =	sshrl.u32 s8, $0x3  }
0xc: {  	s28 =	sshrl.u32 s9, $0x1;
	s19 =	sadd.s32 s8, s2;
	s8 =	sadd.s32 s8, s4  }
0xd: {  	s25 =	simm.s32 $0x1;
	s6 =	smul.u32 $0x510, s6;
	s26 =	sadd.s32 s7, s0  }
0xe: {  	s18 =	ssub.s32 s9, s28;
	s7 =	sor.u32 $0x1C02, s29;
	s9 =	sadd.s32 $0x13800, s2  }
0xf: {  	s30 =	sadd.s32 s14, s15;
	s20 =	sshrl.u32 s20, $0x3;
	s19 =	sshrl.u32 s19, $0x3  }
0x10: {  	s14 =	sadd.s32 s16, s30;
	s15 =	sadd.s32 s17, s30;
	s31 =	sadd.s32 $0x2700, s20  }
0x11: {  	s18 =	smax.u32 s18, $0x1;
	s20 =	simm.s32 $0x2;
	s13 =	sadd.s32 s6, s0  }
0x12: {  	s6 =	sadd.s32 $0x16E00, s26;
	s16 =	sadd.s32 s16, s31;
	s17 =	sadd.s32 s17, s31  }
0x13: {  	s26 =	simm.s32 $0x0;
	s12 =	sadd.s32 $0xCC00, s13;
	s13 =	sadd.s32 $0x2A00, s13  }
.LBB2_1:
0x14: {  	[spmem:s19], [sflag:s7] =	dma.local [hbm:s6], $0x270  }
0x15: {  	_ =	swait.ge [sflag:s20], $0x270  }
0x16: {  	[sflag:s20] =	ssyncset.done $0x0  }
0x17: {  	s28 =	sshrl.u32 s8, $0x3;
	[sflag:s20] =	ssyncadd.s32 $0xFFFFFD90  }
0x18: {  	[spmem:s28], [sflag:s7] =	dma.local [hbm:s6], $0x270  }
0x19: {  	_ =	swait.ge [sflag:s20], $0x270  }
0x1a: {  	[sflag:s20] =	ssyncset.done $0x0  }
0x1b: {  	s29 =	sshrl.u32 @!p0 s9, $0x3;
	s0 =	simm.s32 @!p0 $0x2;
	[sflag:s20] =	ssyncadd.s32 $0xFFFFFD90  }
0x1c: {  	[spmem:s29], [sflag:s7] =	dma.local @!p0 [hbm:s10], $0x10  }
0x1d: {  	_ =	swait.ge @!p0 [sflag:s0], $0x10  }
0x1e: {  	[sflag:s0] =	ssyncset.done @!p0 $0x0  }
0x1f: {  	s30 =	sshrl.u32 @!p0 s11, $0x3;
	[sflag:s0] =	ssyncadd.s32 @!p0 $0xFFFFFFF0  }
0x20: {  	[spmem:s30], [sflag:s7] =	dma.local @!p0 [hbm:s10], $0x10  }
0x21: {  	_ =	swait.ge @!p0 [sflag:s0], $0x10  }
0x22: {  	[sflag:s0] =	ssyncset.done @!p0 $0x0  }
0x23: {  	[sflag:s0] =	ssyncadd.s32 @!p0 $0xFFFFFFF0  }
0x24: {  	[tilespmem:s21], [sflag:$0x2] =	stream.linear.gather [hbm4b:s12+s5], $0x2880, $0x38;
	[tilespmem:$0x7C20] =	vst v63  }
0x25: {  	_ =	swait.ge [sflag:s20], $0x2880  }
0x26: {  	[sflag:s20] =	ssyncset.done $0x0  }
0x27: {  	[sflag:s20] =	ssyncadd.s32 $0xFFFFD780  }
0x28: {  	[tilespmem:s22], [sflag:$0x2] =	stream.linear.gather [hbm4b:s13+s5], $0x2880, $0x38;
	[tilespmem:$0x7C20] =	vst v63  }
0x29: {  	_ =	swait.ge [sflag:s20], $0x2880  }
0x2a: {  	[sflag:s20] =	ssyncset.done $0x0  }
0x2b: {  	[sflag:s20] =	ssyncadd.s32 $0xFFFFD780  }
0x2c: {  	[tilespmem:s23], [sflag:$0x2] =	stream.linear.gather [hbm4b:s1+s5], $0x400, $0x38;
	[tilespmem:$0x7C20] =	vst v63  }
0x2d: {  	_ =	swait.ge [sflag:s20], $0x400  }
0x2e: {  	[sflag:s20] =	ssyncset.done $0x0  }
0x2f: {  	s3 =	simm.s32 $0x2720;
	[sflag:s20] =	ssyncadd.s32 $0xFFFFFC00  }
0x30: {  	s31 =	simm.s32 $0x200;
	s0 =	simm.s32 $0x4FA0;
	[bflag:$0x0] =	sbarrier.arrive $0xFFFF  }
0x31: {  	[spmem:s2] =	stream.indirect.scatter.add.f32 [tilespmem:s23], [sflag:$0x1], $0x8, s3, s24, $0xb8;
	[tilespmem:$0x7C20] =	vst v63  }
.LBB2_2:
0x32: {  	[spmem:s4] =	stream.indirect.scatter.add.f32 [tilespmem:s23], [sflag:$0x1], $0x8, s0, s24, $0xb8;
	[tilespmem:$0x7C20] =	vst v63  }
0x33: {  	s0 =	smov.u32 s31;
	p1 =	sne.s32 s31, $0xA000  }
.Ltmp0:
0x34: {  	s31 =	sadd.s32 $0x200, s31;
	(pc) =	sbr.rel @p1 .LBB2_2-.Ltmp0, $4  }
0x35: {  	s0 =	sshra.s32 s0, $0x2  }
0x36: {  	s3 =	sadd.s32 $0x2720, s0  }
0x37: {  	[spmem:s2] =	stream.indirect.scatter.add.f32 [tilespmem:s23], [sflag:$0x1], $0x8, s3, s24, $0xb8;
	[tilespmem:$0x7C20] =	vst v63  }
0x38: {  	s0 =	sadd.s32 $0x4FA0, s0  }
0x39: {  	[spmem:s4] =	stream.indirect.scatter.add.f32 [tilespmem:s23], [sflag:$0x1], $0x8, s0, s24, $0xb8;
	[tilespmem:$0x7C20] =	vst v63  }
0x3a: {  	_ =	swait.ge [sflag:s25], $0x400  }
0x3b: {  	[sflag:s25] =	ssyncset.done $0x0  }
0x3c: {  	[sflag:s25] =	ssyncadd.s32 $0xFFFFFC00  }
0x3d: {  	_ =	swait.ge [sflag:s25], $0x400  }
0x3e: {  	s31 =	simm.s32 $0x50;
	[sflag:s25] =	ssyncset.done $0x0  }
.LBB2_4:
0x3f: {  	p1 =	sne.s32 s31, $0x1;
	s31 =	sadd.s32 $0xFFFFFFFF, s31;
	[sflag:s25] =	ssyncadd.s32 $0xFFFFFC00  }
.Ltmp1:
0x40: {  	_ =	swait.ge [sflag:s25], $0x400;
	(pc) =	sbr.rel @p1 .LBB2_4-.Ltmp1, $4  }
0x41: {  	[sflag:s25] =	ssyncset.done $0x0  }
0x42: {  	[sflag:s25] =	ssyncadd.s32 $0xFFFFFC00  }
0x43: {  	_ =	swait.ge [sflag:s25], $0x400  }
0x44: {  	[sflag:s25] =	ssyncset.done $0x0  }
0x45: {  	[sflag:s25] =	ssyncadd.s32 $0xFFFFFC00  }
0x46: {  	[bflag:$0x0] =	sbarrier.arrive $0xFFFF  }
0x47: {  	[hbm:s14], [sflag:s7] =	dma.local [spmem:s19], $0x270  }
0x48: {  	_ =	swait.ge [sflag:s20], $0x270  }
0x49: {  	[sflag:s20] =	ssyncset.done $0x0  }
0x4a: {  	[sflag:s20] =	ssyncadd.s32 $0xFFFFFD90  }
0x4b: {  	[hbm:s15], [sflag:s7] =	dma.local [spmem:s28], $0x270  }
0x4c: {  	_ =	swait.ge [sflag:s20], $0x270  }
0x4d: {  	[sflag:s20] =	ssyncset.done $0x0  }
0x4e: {  	s0 =	simm.s32 @!p0 $0x2;
	[sflag:s20] =	ssyncadd.s32 $0xFFFFFD90  }
0x4f: {  	[hbm:s16], [sflag:s7] =	dma.local @!p0 [spmem:s29], $0x10  }
0x50: {  	s26 =	sadd.s32 $0x1, s26;
	_ =	swait.ge @!p0 [sflag:s0], $0x10  }
0x51: {  	p1 =	sne.s32 s26, s18;
	[sflag:s0] =	ssyncset.done @!p0 $0x0  }
.Ltmp2:
0x52: {  	[sflag:s0] =	ssyncadd.s32 @!p0 $0xFFFFFFF0;
	(pc) =	sbr.rel @p1 .LBB2_1-.Ltmp2, $4  }
0x53: {  	[hbm:s17], [sflag:s7] =	dma.local @!p0 [spmem:s30], $0x10  }
0x54: {  	_ =	swait.ge @!p0 [sflag:s0], $0x10  }
0x55: {  	[sflag:s0] =	ssyncset.done @!p0 $0x0  }
0x56: {  	[sflag:s0] =	ssyncadd.s32 @!p0 $0xFFFFFFF0  }
0x57: {  	_ =	sfence.sel $0x180000  }
0x58: {  	[bflag:$0x0] =	sbarrier.arrive $0xFFFF  }
0x59: {  	_ =	strace $0x90000047  }
0x5a: {  	s0 =	stileid.u32;
	[bflag:$0x2] =	sbarrier.arrive $0xFFFF  }
0x5b: {  	p0 =	sne.s32 s0, $0x0;
	s0 =	rddreg [dreg:$0x4]  }
0x5c: {  	s0 =	sadd.s32 @!p0 $0x100000, s0  }
0x5d: {  	[sflag:s0] =	ssyncadd.tile.s32 @!p0 $0x1;
	_ =	shalt  }
.Lfunc_end2:
_tile_overlayer_lowered:
.L_overlay_start_2:
0x5e: {  	(tag) =	ssettag $0x2  }
0x5f: {  	s0 =	rddreg [dreg:$0x0];
	s2 =	stileid.u32  }
0x60: {  	s1 =	rddreg [dreg:$0x1];
	p0 =	sne.s32 s2, $0x0  }
0x61: {  	s3 =	rddreg [dreg:$0x2];
	[bflag:$0x3] =	sbarrier.arrive $0xFFFF;
	s2 =	simm.s32 @!p0 $0x1C02  }
0x62: {  	[timem:s3], [sflag:s2] =	dma.local @!p0 [hbm:s0], s1  }
0x63: {  	s0 =	simm.s32 @!p0 $0x2  }
0x64: {  	_ =	swait.ge @!p0 [sflag:s0], s1  }
0x65: {  	s1 =	ssub.s32 @!p0 $0x0, s1;
	[sflag:s0] =	ssyncset.done @!p0 $0x0  }
0x66: {  	[sflag:s0] =	ssyncadd.s32 @!p0 s1  }
0x67: {  	[bflag:$0x3] =	sbarrier.arrive $0xFFFF  }
0x68: {  	_ =	shalt  }

// kernel: kernel.14.cloned.1.call-start
scs
__scs_entry_jumppad:
0x0: {  	(pc) =	sbr.rel $0x88, $3  }
0x1: {  	(tag) =	ssettag $0x0;
	lr =	simm.s32 $0x1  }
0x2: {  	[smem:$0x3F93] =	sst lr;
	_ =	strace $0xD0000000  }
0x3: {  	_ = 	snop  }
0x4: {  	_ = 	snop  }
0x5: {  	_ = 	snop  }
0x6: {  	_ = 	snop  }
0x7: {  	_ = 	snop  }
__scs_overlays_trampoline_lowered:
0x8: {  	[smem:$0x3FA2] =	sst s0  }
0x9: {  	[smem:$0x3FA3] =	sst s1  }
0xa: {  	[smem:$0x3FA4] =	sst s2  }
0xb: {  	[smem:$0x3FA5] =	sst s3  }
0xc: {  	[smem:$0x3FA6] =	sst s4  }
0xd: {  	[smem:$0x3FA7] =	sst s5  }
0xe: {  	[smem:$0x3FA8] =	sst s6  }
0xf: {  	[smem:$0x3FA9] =	sst s7  }
0x10: {  	[smem:$0x3FAA] =	sst s8  }
0x11: {  	[smem:$0x3FAB] =	sst s9;
	s0 =	simm.s32 @!p0 $0x0  }
0x12: {  	s1 =	sld [smem:$0x3F91];
	s0 =	simm.s32 @p0 $0x1  }
0x13: {  	[smem:$0x3FAC] =	sst s0;
	s0 =	simm.s32 @!p1 $0x0  }
0x14: {  	s2 =	sld [smem:$0x3F90];
	s0 =	simm.s32 @p1 $0x1  }
0x15: {  	[smem:$0x3FAD] =	sst s0;
	s0 =	simm.s32 @!p2 $0x0  }
0x16: {  	s3 =	sld [smem:$0x3FDB];
	s0 =	simm.s32 @p2 $0x1  }
0x17: {  	s4 =	simm.s32 $0x1BF5;
	[smem:$0x3FAF] =	sst s0  }
0x18: {  	s0 =	sld [smem:$0x3F92];
	_ =	swait.ge [sflag:s4], $0x0  }
0x19: {  	s7 =	sld [smem:$0x3F93]  }
0x1a: {  	s8 =	sadd.s32 $0xFFFFE003, lr  }
0x1b: {  	s9 =	sadd.s32 $0xFFFFFEF7, lr;
	s5 =	simm.s32 $0xFFFFFFFF;
	p2 =	slt.u32 s8, $0xFFFFF086  }
0x1c: {  	p1 =	slt.u32 s9, $0xF7A;
	s5 =	simm.s32 @!p2 $0x0  }
0x1d: {  	s5 =	simm.s32 @p1 $0x1;
	p0 =	seq.s32 s7, s2  }
0x1e: {  	s7 =	smul.u32 @!p0 $0xF7A, s2;
	p2 =	seq.s32 @!p0 s5, $0x0  }
0x1f: {  	s9 =	smul.u32 $0xF7A, s1;
	s8 =	simm.s32 @!p0 $0x1BF5;
	p2 =	por !p2, p0  }
0x20: {  	[sflag:s8] =	ssyncset.s32 @!p0 $0xFFFFF086;
	s6 =	sadd.s32 @!p0 s3, s7;
	s7 =	simm.s32 @!p0 $0x108  }
0x21: {  	s3 =	sadd.s32 s3, s9;
	s6 =	sadd.s32 @!p0 $0x88, s6;
	s7 =	simm.s32 @p2 $0x1082  }
0x22: {  	[simem:s7], [sflag:s8] =	dma.local @!p0 [hbm:s6], $0xF7A  }
0x23: {  	s9 =	sor.u32 $0xD0000000, s2;
	s6 =	simm.s32 $0x108;
	_ =	swait.ge @!p0 [sflag:s8], $0x0  }
0x24: {  	s3 =	sadd.s32 $0x88, s3;
	s6 =	simm.s32 @!p1 $0x1082;
	[sflag:s4] =	ssyncset.s32 $0xFFFFF086  }
0x25: {  	[simem:s6], [sflag:s4] =	dma.local [hbm:s3], $0xF7A  }
0x26: {  	[smem:$0x3F93] =	sst s1;
	(tag) =	ssettag s2;
	_ =	strace s9  }
0x27: {  	s1 =	sld [smem:$0x3FA3]  }
0x28: {  	s2 =	sld [smem:$0x3FA4]  }
0x29: {  	s4 =	sld [smem:$0x3FA6]  }
0x2a: {  	p0 =	seq.s32 s5, $0x0;
	s5 =	sld [smem:$0x3FA7]  }
0x2b: {  	s6 =	sld [smem:$0x3FA8]  }
0x2c: {  	s7 =	sld [smem:$0x3FA9]  }
0x2d: {  	s3 =	simm.s32 $0x108;
	s8 =	sld [smem:$0x3FAA]  }
0x2e: {  	s3 =	simm.s32 @!p0 $0x1082;
	s9 =	sld [smem:$0x3FAB]  }
0x2f: {  	lr =	sadd.s32 s0, s3;
	s0 =	sld [smem:$0x3FA2]  }
0x30: {  	s3 =	sld [smem:$0x3FA5]  }
0x31: {  	[smem:$0x3FAE] =	sst s10  }
0x32: {  	s10 =	sld [smem:$0x3FAC];
	_ =	sdelay $0x3  }
0x33: {  	p0 =	seq.s32 s10, $0x1;
	s10 =	sld [smem:$0x3FAE];
	_ =	sdelay $0x3  }
0x34: {  	[smem:$0x3FAE] =	sst s10  }
0x35: {  	s10 =	sld [smem:$0x3FAD];
	_ =	sdelay $0x3  }
0x36: {  	p1 =	seq.s32 s10, $0x1;
	s10 =	sld [smem:$0x3FAE];
	_ =	sdelay $0x3  }
0x37: {  	[smem:$0x3FAE] =	sst s10  }
0x38: {  	s10 =	sld [smem:$0x3FAF]  }
0x39: {  	_ = 	snop;
	(pc) =	sbr.ind lr, $3  }
0x3a: {  	_ = 	snop  }
0x3b: {  	_ = 	snop  }
0x3c: {  	p2 =	seq.s32 s10, $0x1;
	s10 =	sld [smem:$0x3FAE]  }
0x3d: {  	_ =	shalt  }
0x3e: {  	_ =	shalt  }
0x3f: {  	_ =	shalt  }
0x40: {  	_ =	shalt  }
0x41: {  	_ =	shalt  }
0x42: {  	_ =	shalt  }
0x43: {  	_ =	shalt  }
0x44: {  	_ =	shalt  }
0x45: {  	_ =	shalt  }
0x46: {  	_ =	shalt  }
0x47: {  	_ =	shalt  }
0x48: {  	_ =	shalt  }
0x49: {  	_ =	shalt  }
0x4a: {  	_ =	shalt  }
0x4b: {  	_ =	shalt  }
0x4c: {  	_ =	shalt  }
0x4d: {  	_ =	shalt  }
0x4e: {  	_ =	shalt  }
0x4f: {  	_ =	shalt  }
0x50: {  	_ =	shalt  }
0x51: {  	_ =	shalt  }
0x52: {  	_ =	shalt  }
0x53: {  	_ =	shalt  }
0x54: {  	_ =	shalt  }
0x55: {  	_ =	shalt  }
0x56: {  	_ =	shalt  }
0x57: {  	_ =	shalt  }
0x58: {  	_ =	shalt  }
0x59: {  	_ =	shalt  }
0x5a: {  	_ =	shalt  }
0x5b: {  	_ =	shalt  }
0x5c: {  	_ =	shalt  }
0x5d: {  	_ =	shalt  }
0x5e: {  	_ =	shalt  }
0x5f: {  	_ =	shalt  }
0x60: {  	_ =	shalt  }
0x61: {  	_ =	shalt  }
0x62: {  	_ =	shalt  }
0x63: {  	_ =	shalt  }
0x64: {  	_ =	shalt  }
0x65: {  	_ =	shalt  }
0x66: {  	_ =	shalt  }
0x67: {  	_ =	shalt  }
0x68: {  	_ =	shalt  }
0x69: {  	_ =	shalt  }
0x6a: {  	_ =	shalt  }
0x6b: {  	_ =	shalt  }
0x6c: {  	_ =	shalt  }
0x6d: {  	_ =	shalt  }
0x6e: {  	_ =	shalt  }
0x6f: {  	_ =	shalt  }
0x70: {  	_ =	shalt  }
0x71: {  	_ =	shalt  }
0x72: {  	_ =	shalt  }
0x73: {  	_ =	shalt  }
0x74: {  	_ =	shalt  }
0x75: {  	_ =	shalt  }
0x76: {  	_ =	shalt  }
0x77: {  	_ =	shalt  }
0x78: {  	_ =	shalt  }
0x79: {  	_ =	shalt  }
0x7a: {  	_ =	shalt  }
0x7b: {  	_ =	shalt  }
0x7c: {  	_ =	shalt  }
0x7d: {  	_ =	shalt  }
0x7e: {  	_ =	shalt  }
0x7f: {  	_ =	shalt  }
0x80: {  	_ =	shalt  }
0x81: {  	_ =	shalt  }
0x82: {  	_ =	shalt  }
0x83: {  	_ =	shalt  }
0x84: {  	_ =	shalt  }
0x85: {  	_ =	shalt  }
0x86: {  	_ =	shalt  }
0x87: {  	_ =	shalt  }
.Lfunc_end0:
.L_simem_size_0:
called_computation.1_lowered:
.L_overlay_start_0:
0x88: {  	s2 =	sld [smem:$0x3FD9]  }
0x89: {  	s3 =	sld [smem:$0x3FFE];
	_ =	sdelay $0x1  }
0x8a: {  	s1 =	srdreg.scid  }
0x8b: {  	s0 =	sand.u32 $0x1, s1  }
0x8c: {  	s17 =	sshll.u32 s0, $0xA;
	s2 =	sadd.s32 s3, s2  }
0x8d: {  	s2 =	sadd.s32 s2, s17  }
0x8e: {  	[smem:$0x3FBA] =	sst s2  }
0x8f: {  	_ = 	snop  }
0x90: {  	s2 =	sld [smem:$0x3FC8]  }
0x91: {  	s18 =	sld [smem:$0x3FC7];
	(tm) =	ssettm $0x1  }
0x92: {  	s4 =	sld [smem:$0x3FFB];
	_ =	sdelay $0x3  }
0x93: {  	_ =	strace s4  }
0x94: {  	s4 =	sld [smem:$0x3FFC];
	_ =	sdelay $0x3  }
0x95: {  	_ =	strace s4  }
0x96: {  	s4 =	sld [smem:$0x3FFD];
	_ =	sdelay $0x3  }
0x97: {  	_ =	strace s4  }
0x98: {  	_ =	strace $0x8FFFFFFF  }
0x99: {  	s19 =	sld [smem:$0x3FDB];
	_ =	sdelay $0x1  }
0x9a: {  	s5 =	simm.s32 $_scs_section_size  }
0x9b: {  	s6 =	simm.s32 $_size__tile_overlayer_lowered;
	s7 =	simm.s32 $_tile_overlayer_lowered  }
0x9c: {  	s22 =	simm.s32 $0x1BFF;
	s21 =	sshll.u32 s7, $0x1;
	s4 =	sadd.s32 s5, s19  }
0x9d: {  	s8 =	simm.s32 $0x0;
	s20 =	sshll.u32 s6, $0x1;
	s6 =	sadd.s32 s21, s4  }
0x9e: {  	[timem:s8], [sflag:s22] =	dma.local [hbm:s6], s20  }
0x9f: {  	_ =	swait.ge [sflag:s22], s20  }
0xa0: {  	s5 =	ssub.s32 $0x0, s20;
	[sflag:s22] =	ssyncset.done $0x0  }
0xa1: {  	[sflag:s22] =	ssyncadd.s32 s5;
	_ =	sdelay $0x1  }
0xa2: {  	s23 =	simm.s32 $0x1B8B  }
0xa3: {  	_ =	swait.ge [sflag:s23], $0x1  }
0xa4: {  	[sflag:s23] =	ssyncset.done $0x0  }
0xa5: {  	s25 =	simm.s32 $0x1B8E;
	s24 =	sld [smem:$0x3FFE];
	[sflag:s23] =	ssyncadd.s32 $0xFFFFFFFF  }
0xa6: {  	s26 =	simm.s32 $execute0_lowered;
	[smem:$0x3FD2] =	sst s25  }
0xa7: {  	s6 =	sshll.u32 s26, $0x1;
	_ =	strace $0x80000049;
	[dreg:$0x1] =	wrdreg $0xFFFFFFFF  }
0xa8: {  	s28 =	simm.s32 $_size_execute0_lowered;
	s4 =	sadd.s32 s4, s6;
	[dreg:$0x0] =	wrdreg $0x0  }
0xa9: {  	s6 =	sshll.u32 s28, $0x1;
	[dreg:$0x2] =	wrdreg s4  }
0xaa: {  	[dreg:$0x3] =	wrdreg s6  }
0xab: {  	[dreg:$0x4] =	wrdreg $0xC0  }
0xac: {  	_ =	task [dreg:s8], $0x5FFFF  }
0xad: {  	[dreg:$0x1] =	wrdreg $0xFFFFFFFF  }
0xae: {  	[dreg:$0x0] =	wrdreg $0x60  }
0xaf: {  	[dreg:$0x2] =	wrdreg s24  }
0xb0: {  	[dreg:$0x3] =	wrdreg s2  }
0xb1: {  	[dreg:$0x4] =	wrdreg s18  }
0xb2: {  	[dreg:$0x5] =	wrdreg $0x0  }
0xb3: {  	[dreg:$0x6] =	wrdreg $0x9  }
0xb4: {  	_ =	task.clear_ibuf [dreg:s8], $0x7FFFF;
	_ =	strace $0x90000049  }
0xb5: {  	s29 =	simm.s32 $0x9;
	_ =	strace $0x8000004B  }
0xb6: {  	_ =	swait.ge [sflag:s29], $0x1  }
0xb7: {  	[sflag:s29] =	ssyncadd.s32 $0xFFFFFFFF  }
0xb8: {  	_ =	strace $0x9000004B  }
0xb9: {  	_ =	sfence  }
0xba: {  	s30 =	sld [smem:$0x0];
	_ =	sdelay $0x2  }
0xbb: {  	s31 =	sshll.u32 s1, $0xD;
	s1 =	sshrl.u32 s1, $0x2  }
0xbc: {  	s3 =	sand.u32 $0x4000, s31;
	s1 =	sadd.s32 s1, s30  }
0xbd: {  	s0 =	sor.u32 s3, s0;
	s1 =	sshll.u32 s1, $0x11  }
0xbe: {  	s0 =	sor.u32 s1, s0  }
0xbf: {  	s0 =	sadd.s32 $0x8F2B, s0  }
0xc0: {  	[sflag:s0] =	ssyncadd.remote.s32 $0x1  }
0xc1: {  	_ =	sfence.sel $0xFFFF  }
0xc2: {  	[dreg:$0x0] =	wrdreg $0xFFFFFFFF;
	(pc) =	sbr.abs _section_cstart, $3  }
0xc3: {  	[dreg:$0x1] =	wrdreg $0xFFFFFFFF  }
0xc4: {  	_ =	task.clear_ibuf [dreg:s8], $0x2FFFF;
	_ =	strace $0x9FFFFFFF  }
0xc5: {  	(tm) =	ssettm $0x7FFFFFFF  }
tec
execute0_lowered:
.L_overlay_start_1:
0x0: {  	(tag) =	ssettag $0x1  }
0x1: {  	s7 =	rddreg [dreg:$0x0]  }
0x2: {  	s14 =	rddreg [dreg:$0x1]  }
0x3: {  	s13 =	rddreg [dreg:$0x2]  }
0x4: {  	s2 =	rddreg [dreg:$0x3];
	s3 =	simm.s32 $0x0  }
0x5: {  	s0 =	stileid.u32;
	s5 =	srdreg.scid;
	s20 =	simm.s32 $0x80  }
0x6: {  	s21 =	simm.s32 $0x13980;
	s22 =	simm.s32 $0x1;
	s23 =	simm.s32 $0x17980  }
0x7: {  	s24 =	simm.s32 $0x17A00;
	s28 =	simm.s32 $0x0;
	[smem:$0x7FF] =	sst s3  }
0x8: {  	s10 =	smul.u32 $0x2700, s0;
	s4 =	sadd.s32 $0x4A800, s7;
	s8 =	sand.u32 $0x1, s5  }
0x9: {  	s25 =	smul.u32 $0x4E000, s0;
	s11 =	sadd.s32 $0x98C00, s7;
	s29 =	sshll.u32 s0, $0x6  }
0xa: {  	s18 =	sadd.s32 $0x138000, s2;
	s19 =	smul.u32 $0x2710, s0;
	p0 =	sne.s32 s0, $0xF  }
0xb: {  	_ =	strace $0x8000004A;
	s9 =	ssub.s32 $0x2, s8;
	s30 =	smul.u32 $0x27100, s8  }
0xc: {  	s12 =	sshll.u32 s8, $0x4;
	s17 =	smul.u32 $0x138800, s8;
	s6 =	sadd.s32 s10, s7  }
0xd: {  	s15 =	sshrl.u32 s9, $0x1;
	s12 =	sor.u32 s0, s12;
	s5 =	sshrl.u32 s25, $0x2  }
0xe: {  	s7 =	sadd.s32 $0x98A00, s7;
	s25 =	simm.s32 $0x10;
	s15 =	ssub.s32 s9, s15  }
0xf: {  	s16 =	sadd.s32 s5, s2;
	s26 =	smul.u32 $0x2710, s12;
	s5 =	sadd.s32 $0x71A00, s6  }
0x10: {  	s6 =	sor.u32 $0x1C02, s29;
	s10 =	sadd.s32 s10, s30;
	s17 =	sshrl.u32 s17, $0x3  }
0x11: {  	s12 =	sadd.s32 s19, s30;
	s19 =	simm.s32 $0x13900;
	s10 =	sadd.s32 s11, s10  }
0x12: {  	s11 =	sadd.s32 s11, s17;
	s31 =	sshrl.u32 s12, $0x3;
	s12 =	smax.u32 s15, $0x1  }
0x13: {  	s15 =	sshrl.u32 s16, $0x3;
	s16 =	simm.s32 $0x2;
	s9 =	sshrl.u32 s26, $0x3  }
0x14: {  	s17 =	sshrl.u32 @!p0 s18, $0x3;
	s18 =	simm.s32 $0x13880;
	s9 =	sadd.s32 $0x4E0, s9  }
0x15: {  	s11 =	sadd.s32 $0x27000, s11;
	s26 =	simm.s32 $0x17A80;
	s8 =	sadd.s32 s14, s9  }
0x16: {  	s9 =	sadd.s32 s13, s9;
	s13 =	sadd.s32 s31, s13;
	s14 =	sadd.s32 s31, s14  }
.LBB2_1:
0x17: {  	[spmem:s15], [sflag:s6] =	dma.local [hbm:s5], $0x2700  }
0x18: {  	_ =	swait.ge [sflag:s16], $0x2700  }
0x19: {  	[sflag:s16] =	ssyncset.done $0x0  }
0x1a: {  	s29 =	simm.s32 @!p0 $0x2;
	[sflag:s16] =	ssyncadd.s32 $0xFFFFD900  }
0x1b: {  	[spmem:s17], [sflag:s6] =	dma.local @!p0 [hbm:s7], $0x100  }
0x1c: {  	_ =	swait.ge @!p0 [sflag:s29], $0x100  }
0x1d: {  	[sflag:s29] =	ssyncset.done @!p0 $0x0  }
0x1e: {  	[sflag:s29] =	ssyncadd.s32 @!p0 $0xFFFFFF00  }
0x1f: {  	s29 =	sadd.s32 $0x0, s14;
	[bflag:$0x0] =	sbarrier.arrive $0xFFFF  }
0x20: {  	[tilespmem:s18], [sflag:$0x2] =	stream.linear.gather [hbm4b:s29+s3], $0x80, $0x38;
	[tilespmem:$0x18280] =	vst v63  }
0x21: {  	_ =	swait.ge [sflag:s16], $0x80  }
0x22: {  	[sflag:s16] =	ssyncset.done $0x0  }
0x23: {  	s29 =	sadd.s32 $0x0, s13;
	[sflag:s16] =	ssyncadd.s32 $0xFFFFFF80  }
0x24: {  	[tilespmem:s19], [sflag:$0x2] =	stream.linear.gather [hbm4b:s29+s3], $0x80, $0x38;
	[tilespmem:$0x18280] =	vst v63  }
0x25: {  	_ =	swait.ge [sflag:s16], $0x80  }
0x26: {  	[sflag:s16] =	ssyncset.done $0x0  }
0x27: {  	[sflag:s16] =	ssyncadd.s32 $0xFFFFFF80  }
0x28: {  	[tilespmem:s21], [sflag:$0x1] =	stream.indirect.gather [hbm4b:s4+s20], $0x80, s18, s20, $0xb8;
	[tilespmem:$0x18280] =	vst v63  }
0x29: {  	_ =	swait.ge [sflag:s22], $0x4000  }
0x2a: {  	[sflag:s22] =	ssyncset.done $0x0  }
0x2b: {  	[sflag:s22] =	ssyncadd.s32 $0xFFFFC000  }
0x2c: {  	[spmem:s2] =	stream.indirect.scatter.add.f32 [tilespmem:s21], [sflag:$0x2], $0x80, s19, s20, $0xb8;
	[tilespmem:$0x18280] =	vst v63  }
0x2d: {  	_ =	swait.ge [sflag:s16], $0x4000  }
0x2e: {  	s30 =	simm.s32 $0x20;
	s29 =	simm.s32 $0x10;
	[sflag:s16] =	ssyncset.done $0x0  }
.LBB2_2:
0x2f: {  	s31 =	sadd.s32 s29, s14  }
0x30: {  	[sflag:s16] =	ssyncadd.s32 $0xFFFFC000;
	s0 =	smov.u32 s30;
	s1 =	sadd.s32 $0x10, s30  }
0x31: {  	[tilespmem:s18], [sflag:$0x2] =	stream.linear.gather [hbm4b:s31+s3], $0x80, $0x38;
	[tilespmem:$0x18280] =	vst v63  }
0x32: {  	p1 =	sne.s32 s30, $0x4D0;
	_ =	swait.ge [sflag:s16], $0x80  }
0x33: {  	[sflag:s16] =	ssyncset.done $0x0  }
0x34: {  	s30 =	sadd.s32 s29, s13;
	s29 =	smov.u32 s0;
	[sflag:s16] =	ssyncadd.s32 $0xFFFFFF80  }
0x35: {  	[tilespmem:s19], [sflag:$0x2] =	stream.linear.gather [hbm4b:s30+s3], $0x80, $0x38;
	[tilespmem:$0x18280] =	vst v63  }
0x36: {  	_ =	swait.ge [sflag:s16], $0x80  }
0x37: {  	[sflag:s16] =	ssyncset.done $0x0  }
0x38: {  	[sflag:s16] =	ssyncadd.s32 $0xFFFFFF80  }
0x39: {  	[tilespmem:s21], [sflag:$0x1] =	stream.indirect.gather [hbm4b:s4+s20], $0x80, s18, s20, $0xb8;
	[tilespmem:$0x18280] =	vst v63  }
0x3a: {  	_ =	swait.ge [sflag:s22], $0x4000  }
.Ltmp0:
0x3b: {  	[sflag:s22] =	ssyncset.done $0x0;
	(pc) =	sbr.rel @p1 .LBB2_2-.Ltmp0, $4  }
0x3c: {  	[sflag:s22] =	ssyncadd.s32 $0xFFFFC000  }
0x3d: {  	[spmem:s2] =	stream.indirect.scatter.add.f32 [tilespmem:s21], [sflag:$0x2], $0x80, s19, s20, $0xb8;
	[tilespmem:$0x18280] =	vst v63  }
0x3e: {  	_ =	swait.ge [sflag:s16], $0x4000  }
0x3f: {  	s30 =	smov.u32 s1;
	[sflag:s16] =	ssyncset.done $0x0  }
0x40: {  	s0 =	sadd.s32 s29, s14;
	[sflag:s16] =	ssyncadd.s32 $0xFFFFC000  }
0x41: {  	[tilespmem:s18], [sflag:$0x2] =	stream.linear.gather [hbm4b:s0+s3], $0x80, $0x38;
	[tilespmem:$0x18280] =	vst v63  }
0x42: {  	_ =	swait.ge [sflag:s16], $0x80  }
0x43: {  	[sflag:s16] =	ssyncset.done $0x0  }
0x44: {  	s31 =	sadd.s32 s29, s13;
	[sflag:s16] =	ssyncadd.s32 $0xFFFFFF80  }
0x45: {  	[tilespmem:s19], [sflag:$0x2] =	stream.linear.gather [hbm4b:s31+s3], $0x80, $0x38;
	[tilespmem:$0x18280] =	vst v63  }
0x46: {  	_ =	swait.ge [sflag:s16], $0x80  }
0x47: {  	[sflag:s16] =	ssyncset.done $0x0  }
0x48: {  	[sflag:s16] =	ssyncadd.s32 $0xFFFFFF80  }
0x49: {  	[tilespmem:s21], [sflag:$0x1] =	stream.indirect.gather [hbm4b:s4+s20], $0x80, s18, s20, $0xb8;
	[tilespmem:$0x18280] =	vst v63  }
0x4a: {  	_ =	swait.ge [sflag:s22], $0x4000  }
0x4b: {  	[sflag:s22] =	ssyncset.done $0x0  }
0x4c: {  	[sflag:s22] =	ssyncadd.s32 $0xFFFFC000  }
0x4d: {  	[spmem:s2] =	stream.indirect.scatter.add.f32 [tilespmem:s21], [sflag:$0x2], $0x80, s19, s20, $0xb8;
	[tilespmem:$0x18280] =	vst v63  }
0x4e: {  	_ =	swait.ge [sflag:s16], $0x4000  }
0x4f: {  	[sflag:s16] =	ssyncset.done $0x0  }
0x50: {  	[sflag:s16] =	ssyncadd.s32 $0xFFFFC000  }
0x51: {  	[tilespmem:s23], [sflag:$0x2] =	stream.linear.gather [hbm4b:s8+s3], $0x10, $0x38;
	[tilespmem:$0x18280] =	vst v63  }
0x52: {  	_ =	swait.ge [sflag:s16], $0x10  }
0x53: {  	[sflag:s16] =	ssyncset.done $0x0  }
0x54: {  	[sflag:s16] =	ssyncadd.s32 $0xFFFFFFF0  }
0x55: {  	[tilespmem:s24], [sflag:$0x2] =	stream.linear.gather [hbm4b:s9+s3], $0x10, $0x38;
	[tilespmem:$0x18280] =	vst v63  }
0x56: {  	_ =	swait.ge [sflag:s16], $0x10  }
0x57: {  	[sflag:s16] =	ssyncset.done $0x0  }
0x58: {  	[sflag:s16] =	ssyncadd.s32 $0xFFFFFFF0  }
0x59: {  	[tilespmem:s26], [sflag:$0x1] =	stream.indirect.gather [hbm4b:s4+s25], $0x80, s23, s25, $0xb8;
	[tilespmem:$0x18280] =	vst v63  }
0x5a: {  	_ =	swait.ge [sflag:s22], $0x800  }
0x5b: {  	[sflag:s22] =	ssyncset.done $0x0  }
0x5c: {  	[sflag:s22] =	ssyncadd.s32 $0xFFFFF800  }
0x5d: {  	[spmem:s2] =	stream.indirect.scatter.add.f32 [tilespmem:s26], [sflag:$0x2], $0x80, s24, s25, $0xb8;
	[tilespmem:$0x18280] =	vst v63  }
0x5e: {  	_ =	swait.ge [sflag:s16], $0x800  }
0x5f: {  	[sflag:s16] =	ssyncset.done $0x0  }
0x60: {  	[sflag:s16] =	ssyncadd.s32 $0xFFFFF800  }
0x61: {  	[bflag:$0x0] =	sbarrier.arrive $0xFFFF  }
0x62: {  	[hbm:s10], [sflag:s6] =	dma.local [spmem:s15], $0x2700  }
0x63: {  	s28 =	sadd.s32 $0x1, s28;
	_ =	swait.ge [sflag:s16], $0x2700  }
0x64: {  	p1 =	sne.s32 s28, s12;
	[sflag:s16] =	ssyncset.done $0x0  }
.Ltmp1:
0x65: {  	s0 =	simm.s32 @!p0 $0x2;
	[sflag:s16] =	ssyncadd.s32 $0xFFFFD900;
	(pc) =	sbr.rel @p1 .LBB2_1-.Ltmp1, $4  }
0x66: {  	[hbm:s11], [sflag:s6] =	dma.local @!p0 [spmem:s17], $0x100  }
0x67: {  	_ =	swait.ge @!p0 [sflag:s0], $0x100  }
0x68: {  	[sflag:s0] =	ssyncset.done @!p0 $0x0  }
0x69: {  	[sflag:s0] =	ssyncadd.s32 @!p0 $0xFFFFFF00  }
0x6a: {  	_ =	sfence.sel $0x180000  }
0x6b: {  	[bflag:$0x0] =	sbarrier.arrive $0xFFFF  }
0x6c: {  	_ =	strace $0x9000004A  }
0x6d: {  	s0 =	stileid.u32;
	[bflag:$0x2] =	sbarrier.arrive $0xFFFF  }
0x6e: {  	p0 =	sne.s32 s0, $0x0;
	s0 =	rddreg [dreg:$0x4]  }
0x6f: {  	s0 =	sadd.s32 @!p0 $0x100000, s0  }
0x70: {  	[sflag:s0] =	ssyncadd.tile.s32 @!p0 $0x1;
	_ =	shalt  }
.Lfunc_end2:
_tile_overlayer_lowered:
.L_overlay_start_2:
0x71: {  	(tag) =	ssettag $0x2  }
0x72: {  	s0 =	rddreg [dreg:$0x0];
	s2 =	stileid.u32  }
0x73: {  	s1 =	rddreg [dreg:$0x1];
	p0 =	sne.s32 s2, $0x0  }
0x74: {  	s3 =	rddreg [dreg:$0x2];
	[bflag:$0x3] =	sbarrier.arrive $0xFFFF;
	s2 =	simm.s32 @!p0 $0x1C02  }
0x75: {  	[timem:s3], [sflag:s2] =	dma.local @!p0 [hbm:s0], s1  }
0x76: {  	s0 =	simm.s32 @!p0 $0x2  }
0x77: {  	_ =	swait.ge @!p0 [sflag:s0], s1  }
0x78: {  	s1 =	ssub.s32 @!p0 $0x0, s1;
	[sflag:s0] =	ssyncset.done @!p0 $0x0  }
0x79: {  	[sflag:s0] =	ssyncadd.s32 @!p0 s1  }
0x7a: {  	[bflag:$0x3] =	sbarrier.arrive $0xFFFF  }
0x7b: {  	_ =	shalt  }

// kernel: kernel.17.cloned.1.call-start
scs
__scs_entry_jumppad:
0x0: {  	(pc) =	sbr.rel $0x88, $3  }
0x1: {  	(tag) =	ssettag $0x0;
	lr =	simm.s32 $0x1  }
0x2: {  	[smem:$0x3F93] =	sst lr;
	_ =	strace $0xD0000000  }
0x3: {  	_ = 	snop  }
0x4: {  	_ = 	snop  }
0x5: {  	_ = 	snop  }
0x6: {  	_ = 	snop  }
0x7: {  	_ = 	snop  }
__scs_overlays_trampoline_lowered:
0x8: {  	[smem:$0x3FA2] =	sst s0  }
0x9: {  	[smem:$0x3FA3] =	sst s1  }
0xa: {  	[smem:$0x3FA4] =	sst s2  }
0xb: {  	[smem:$0x3FA5] =	sst s3  }
0xc: {  	[smem:$0x3FA6] =	sst s4  }
0xd: {  	[smem:$0x3FA7] =	sst s5  }
0xe: {  	[smem:$0x3FA8] =	sst s6  }
0xf: {  	[smem:$0x3FA9] =	sst s7  }
0x10: {  	[smem:$0x3FAA] =	sst s8  }
0x11: {  	[smem:$0x3FAB] =	sst s9;
	s0 =	simm.s32 @!p0 $0x0  }
0x12: {  	s1 =	sld [smem:$0x3F91];
	s0 =	simm.s32 @p0 $0x1  }
0x13: {  	[smem:$0x3FAC] =	sst s0;
	s0 =	simm.s32 @!p1 $0x0  }
0x14: {  	s2 =	sld [smem:$0x3F90];
	s0 =	simm.s32 @p1 $0x1  }
0x15: {  	[smem:$0x3FAD] =	sst s0;
	s0 =	simm.s32 @!p2 $0x0  }
0x16: {  	s3 =	sld [smem:$0x3FDB];
	s0 =	simm.s32 @p2 $0x1  }
0x17: {  	s4 =	simm.s32 $0x1BF5;
	[smem:$0x3FAF] =	sst s0  }
0x18: {  	s0 =	sld [smem:$0x3F92];
	_ =	swait.ge [sflag:s4], $0x0  }
0x19: {  	s7 =	sld [smem:$0x3F93]  }
0x1a: {  	s8 =	sadd.s32 $0xFFFFE003, lr  }
0x1b: {  	s9 =	sadd.s32 $0xFFFFFEF7, lr;
	s5 =	simm.s32 $0xFFFFFFFF;
	p2 =	slt.u32 s8, $0xFFFFF086  }
0x1c: {  	p1 =	slt.u32 s9, $0xF7A;
	s5 =	simm.s32 @!p2 $0x0  }
0x1d: {  	s5 =	simm.s32 @p1 $0x1;
	p0 =	seq.s32 s7, s2  }
0x1e: {  	s7 =	smul.u32 @!p0 $0xF7A, s2;
	p2 =	seq.s32 @!p0 s5, $0x0  }
0x1f: {  	s9 =	smul.u32 $0xF7A, s1;
	s8 =	simm.s32 @!p0 $0x1BF5;
	p2 =	por !p2, p0  }
0x20: {  	[sflag:s8] =	ssyncset.s32 @!p0 $0xFFFFF086;
	s6 =	sadd.s32 @!p0 s3, s7;
	s7 =	simm.s32 @!p0 $0x108  }
0x21: {  	s3 =	sadd.s32 s3, s9;
	s6 =	sadd.s32 @!p0 $0x88, s6;
	s7 =	simm.s32 @p2 $0x1082  }
0x22: {  	[simem:s7], [sflag:s8] =	dma.local @!p0 [hbm:s6], $0xF7A  }
0x23: {  	s9 =	sor.u32 $0xD0000000, s2;
	s6 =	simm.s32 $0x108;
	_ =	swait.ge @!p0 [sflag:s8], $0x0  }
0x24: {  	s3 =	sadd.s32 $0x88, s3;
	s6 =	simm.s32 @!p1 $0x1082;
	[sflag:s4] =	ssyncset.s32 $0xFFFFF086  }
0x25: {  	[simem:s6], [sflag:s4] =	dma.local [hbm:s3], $0xF7A  }
0x26: {  	[smem:$0x3F93] =	sst s1;
	(tag) =	ssettag s2;
	_ =	strace s9  }
0x27: {  	s1 =	sld [smem:$0x3FA3]  }
0x28: {  	s2 =	sld [smem:$0x3FA4]  }
0x29: {  	s4 =	sld [smem:$0x3FA6]  }
0x2a: {  	p0 =	seq.s32 s5, $0x0;
	s5 =	sld [smem:$0x3FA7]  }
0x2b: {  	s6 =	sld [smem:$0x3FA8]  }
0x2c: {  	s7 =	sld [smem:$0x3FA9]  }
0x2d: {  	s3 =	simm.s32 $0x108;
	s8 =	sld [smem:$0x3FAA]  }
0x2e: {  	s3 =	simm.s32 @!p0 $0x1082;
	s9 =	sld [smem:$0x3FAB]  }
0x2f: {  	lr =	sadd.s32 s0, s3;
	s0 =	sld [smem:$0x3FA2]  }
0x30: {  	s3 =	sld [smem:$0x3FA5]  }
0x31: {  	[smem:$0x3FAE] =	sst s10  }
0x32: {  	s10 =	sld [smem:$0x3FAC];
	_ =	sdelay $0x3  }
0x33: {  	p0 =	seq.s32 s10, $0x1;
	s10 =	sld [smem:$0x3FAE];
	_ =	sdelay $0x3  }
0x34: {  	[smem:$0x3FAE] =	sst s10  }
0x35: {  	s10 =	sld [smem:$0x3FAD];
	_ =	sdelay $0x3  }
0x36: {  	p1 =	seq.s32 s10, $0x1;
	s10 =	sld [smem:$0x3FAE];
	_ =	sdelay $0x3  }
0x37: {  	[smem:$0x3FAE] =	sst s10  }
0x38: {  	s10 =	sld [smem:$0x3FAF]  }
0x39: {  	_ = 	snop;
	(pc) =	sbr.ind lr, $3  }
0x3a: {  	_ = 	snop  }
0x3b: {  	_ = 	snop  }
0x3c: {  	p2 =	seq.s32 s10, $0x1;
	s10 =	sld [smem:$0x3FAE]  }
0x3d: {  	_ =	shalt  }
0x3e: {  	_ =	shalt  }
0x3f: {  	_ =	shalt  }
0x40: {  	_ =	shalt  }
0x41: {  	_ =	shalt  }
0x42: {  	_ =	shalt  }
0x43: {  	_ =	shalt  }
0x44: {  	_ =	shalt  }
0x45: {  	_ =	shalt  }
0x46: {  	_ =	shalt  }
0x47: {  	_ =	shalt  }
0x48: {  	_ =	shalt  }
0x49: {  	_ =	shalt  }
0x4a: {  	_ =	shalt  }
0x4b: {  	_ =	shalt  }
0x4c: {  	_ =	shalt  }
0x4d: {  	_ =	shalt  }
0x4e: {  	_ =	shalt  }
0x4f: {  	_ =	shalt  }
0x50: {  	_ =	shalt  }
0x51: {  	_ =	shalt  }
0x52: {  	_ =	shalt  }
0x53: {  	_ =	shalt  }
0x54: {  	_ =	shalt  }
0x55: {  	_ =	shalt  }
0x56: {  	_ =	shalt  }
0x57: {  	_ =	shalt  }
0x58: {  	_ =	shalt  }
0x59: {  	_ =	shalt  }
0x5a: {  	_ =	shalt  }
0x5b: {  	_ =	shalt  }
0x5c: {  	_ =	shalt  }
0x5d: {  	_ =	shalt  }
0x5e: {  	_ =	shalt  }
0x5f: {  	_ =	shalt  }
0x60: {  	_ =	shalt  }
0x61: {  	_ =	shalt  }
0x62: {  	_ =	shalt  }
0x63: {  	_ =	shalt  }
0x64: {  	_ =	shalt  }
0x65: {  	_ =	shalt  }
0x66: {  	_ =	shalt  }
0x67: {  	_ =	shalt  }
0x68: {  	_ =	shalt  }
0x69: {  	_ =	shalt  }
0x6a: {  	_ =	shalt  }
0x6b: {  	_ =	shalt  }
0x6c: {  	_ =	shalt  }
0x6d: {  	_ =	shalt  }
0x6e: {  	_ =	shalt  }
0x6f: {  	_ =	shalt  }
0x70: {  	_ =	shalt  }
0x71: {  	_ =	shalt  }
0x72: {  	_ =	shalt  }
0x73: {  	_ =	shalt  }
0x74: {  	_ =	shalt  }
0x75: {  	_ =	shalt  }
0x76: {  	_ =	shalt  }
0x77: {  	_ =	shalt  }
0x78: {  	_ =	shalt  }
0x79: {  	_ =	shalt  }
0x7a: {  	_ =	shalt  }
0x7b: {  	_ =	shalt  }
0x7c: {  	_ =	shalt  }
0x7d: {  	_ =	shalt  }
0x7e: {  	_ =	shalt  }
0x7f: {  	_ =	shalt  }
0x80: {  	_ =	shalt  }
0x81: {  	_ =	shalt  }
0x82: {  	_ =	shalt  }
0x83: {  	_ =	shalt  }
0x84: {  	_ =	shalt  }
0x85: {  	_ =	shalt  }
0x86: {  	_ =	shalt  }
0x87: {  	_ =	shalt  }
.Lfunc_end0:
.L_simem_size_0:
called_computation.2_lowered:
.L_overlay_start_0:
0x88: {  	s2 =	sld [smem:$0x3FD9]  }
0x89: {  	s3 =	sld [smem:$0x3FFE];
	_ =	sdelay $0x1  }
0x8a: {  	s1 =	srdreg.scid  }
0x8b: {  	s0 =	sand.u32 $0x1, s1  }
0x8c: {  	s17 =	sshll.u32 s0, $0xA;
	s2 =	sadd.s32 s3, s2  }
0x8d: {  	s2 =	sadd.s32 s2, s17  }
0x8e: {  	[smem:$0x3FBA] =	sst s2  }
0x8f: {  	_ = 	snop  }
0x90: {  	s2 =	sld [smem:$0x3FC8]  }
0x91: {  	s18 =	sld [smem:$0x3FC7];
	(tm) =	ssettm $0x1  }
0x92: {  	s4 =	sld [smem:$0x3FFB];
	_ =	sdelay $0x3  }
0x93: {  	_ =	strace s4  }
0x94: {  	s4 =	sld [smem:$0x3FFC];
	_ =	sdelay $0x3  }
0x95: {  	_ =	strace s4  }
0x96: {  	s4 =	sld [smem:$0x3FFD];
	_ =	sdelay $0x3  }
0x97: {  	_ =	strace s4  }
0x98: {  	_ =	strace $0x8FFFFFFF  }
0x99: {  	s19 =	sld [smem:$0x3FDB];
	_ =	sdelay $0x1  }
0x9a: {  	s5 =	simm.s32 $_scs_section_size  }
0x9b: {  	s6 =	simm.s32 $_size__tile_overlayer_lowered;
	s7 =	simm.s32 $_tile_overlayer_lowered  }
0x9c: {  	s22 =	simm.s32 $0x1BFF;
	s21 =	sshll.u32 s7, $0x1;
	s4 =	sadd.s32 s5, s19  }
0x9d: {  	s8 =	simm.s32 $0x0;
	s20 =	sshll.u32 s6, $0x1;
	s6 =	sadd.s32 s21, s4  }
0x9e: {  	[timem:s8], [sflag:s22] =	dma.local [hbm:s6], s20  }
0x9f: {  	_ =	swait.ge [sflag:s22], s20  }
0xa0: {  	s5 =	ssub.s32 $0x0, s20;
	[sflag:s22] =	ssyncset.done $0x0  }
0xa1: {  	[sflag:s22] =	ssyncadd.s32 s5;
	_ =	sdelay $0x1  }
0xa2: {  	s23 =	simm.s32 $0x1B8B  }
0xa3: {  	_ =	swait.ge [sflag:s23], $0x1  }
0xa4: {  	[sflag:s23] =	ssyncset.done $0x0  }
0xa5: {  	s25 =	simm.s32 $0x1B8E;
	s24 =	sld [smem:$0x3FFE];
	[sflag:s23] =	ssyncadd.s32 $0xFFFFFFFF  }
0xa6: {  	s26 =	simm.s32 $execute0_lowered;
	[smem:$0x3FD2] =	sst s25  }
0xa7: {  	s6 =	sshll.u32 s26, $0x1;
	_ =	strace $0x8000004C;
	[dreg:$0x1] =	wrdreg $0xFFFFFFFF  }
0xa8: {  	s28 =	simm.s32 $_size_execute0_lowered;
	s4 =	sadd.s32 s4, s6;
	[dreg:$0x0] =	wrdreg $0x0  }
0xa9: {  	s6 =	sshll.u32 s28, $0x1;
	[dreg:$0x2] =	wrdreg s4  }
0xaa: {  	[dreg:$0x3] =	wrdreg s6  }
0xab: {  	[dreg:$0x4] =	wrdreg $0xC0  }
0xac: {  	_ =	task [dreg:s8], $0x5FFFF  }
0xad: {  	[dreg:$0x1] =	wrdreg $0xFFFFFFFF  }
0xae: {  	[dreg:$0x0] =	wrdreg $0x60  }
0xaf: {  	[dreg:$0x2] =	wrdreg s24  }
0xb0: {  	[dreg:$0x3] =	wrdreg s2  }
0xb1: {  	[dreg:$0x4] =	wrdreg s18  }
0xb2: {  	[dreg:$0x5] =	wrdreg $0x0  }
0xb3: {  	[dreg:$0x6] =	wrdreg $0x9  }
0xb4: {  	_ =	task.clear_ibuf [dreg:s8], $0x7FFFF;
	_ =	strace $0x9000004C  }
0xb5: {  	s29 =	simm.s32 $0x9;
	_ =	strace $0x8000004E  }
0xb6: {  	_ =	swait.ge [sflag:s29], $0x1  }
0xb7: {  	[sflag:s29] =	ssyncadd.s32 $0xFFFFFFFF  }
0xb8: {  	_ =	strace $0x9000004E  }
0xb9: {  	_ =	sfence  }
0xba: {  	s30 =	sld [smem:$0x0];
	_ =	sdelay $0x2  }
0xbb: {  	s31 =	sshll.u32 s1, $0xD;
	s1 =	sshrl.u32 s1, $0x2  }
0xbc: {  	s3 =	sand.u32 $0x4000, s31;
	s1 =	sadd.s32 s1, s30  }
0xbd: {  	s0 =	sor.u32 s3, s0;
	s1 =	sshll.u32 s1, $0x11  }
0xbe: {  	s0 =	sor.u32 s1, s0  }
0xbf: {  	s0 =	sadd.s32 $0x8F2B, s0  }
0xc0: {  	[sflag:s0] =	ssyncadd.remote.s32 $0x1  }
0xc1: {  	_ =	sfence.sel $0xFFFF  }
0xc2: {  	[dreg:$0x0] =	wrdreg $0xFFFFFFFF;
	(pc) =	sbr.abs _section_cstart, $3  }
0xc3: {  	[dreg:$0x1] =	wrdreg $0xFFFFFFFF  }
0xc4: {  	_ =	task.clear_ibuf [dreg:s8], $0x2FFFF;
	_ =	strace $0x9FFFFFFF  }
0xc5: {  	(tm) =	ssettm $0x7FFFFFFF  }
tec
execute0_lowered:
.L_overlay_start_1:
0x0: {  	(tag) =	ssettag $0x1  }
0x1: {  	s7 =	rddreg [dreg:$0x0]  }
0x2: {  	s14 =	rddreg [dreg:$0x1]  }
0x3: {  	s13 =	rddreg [dreg:$0x2]  }
0x4: {  	s2 =	rddreg [dreg:$0x3];
	s3 =	simm.s32 $0x0  }
0x5: {  	s0 =	stileid.u32;
	s5 =	srdreg.scid;
	s20 =	simm.s32 $0x80  }
0x6: {  	s21 =	simm.s32 $0x13980;
	s22 =	simm.s32 $0x1;
	s23 =	simm.s32 $0x17980  }
0x7: {  	s24 =	simm.s32 $0x17A00;
	s28 =	simm.s32 $0x0;
	[smem:$0x7FF] =	sst s3  }
0x8: {  	s10 =	smul.u32 $0x2700, s0;
	s4 =	sadd.s32 $0x98C00, s7;
	s8 =	sand.u32 $0x1, s5  }
0x9: {  	s25 =	smul.u32 $0x4E000, s0;
	s11 =	sadd.s32 $0x2A00, s7;
	s29 =	sshll.u32 s0, $0x6  }
0xa: {  	s18 =	sadd.s32 $0x138000, s2;
	s19 =	smul.u32 $0x2710, s0;
	p0 =	sne.s32 s0, $0xF  }
0xb: {  	_ =	strace $0x8000004D;
	s9 =	ssub.s32 $0x2, s8;
	s30 =	smul.u32 $0x27100, s8  }
0xc: {  	s12 =	sshll.u32 s8, $0x4;
	s17 =	smul.u32 $0x138800, s8;
	s6 =	sadd.s32 s10, s7  }
0xd: {  	s15 =	sshrl.u32 s9, $0x1;
	s12 =	sor.u32 s0, s12;
	s5 =	sshrl.u32 s25, $0x2  }
0xe: {  	s7 =	sadd.s32 $0x98A00, s7;
	s25 =	simm.s32 $0x10;
	s15 =	ssub.s32 s9, s15  }
0xf: {  	s16 =	sadd.s32 s5, s2;
	s26 =	smul.u32 $0x2710, s12;
	s5 =	sadd.s32 $0x71A00, s6  }
0x10: {  	s6 =	sor.u32 $0x1C02, s29;
	s10 =	sadd.s32 s10, s30;
	s17 =	sshrl.u32 s17, $0x3  }
0x11: {  	s12 =	sadd.s32 s19, s30;
	s19 =	simm.s32 $0x13900;
	s10 =	sadd.s32 s11, s10  }
0x12: {  	s11 =	sadd.s32 s11, s17;
	s31 =	sshrl.u32 s12, $0x3;
	s12 =	smax.u32 s15, $0x1  }
0x13: {  	s15 =	sshrl.u32 s16, $0x3;
	s16 =	simm.s32 $0x2;
	s9 =	sshrl.u32 s26, $0x3  }
0x14: {  	s17 =	sshrl.u32 @!p0 s18, $0x3;
	s18 =	simm.s32 $0x13880;
	s9 =	sadd.s32 $0x4E0, s9  }
0x15: {  	s11 =	sadd.s32 $0x27000, s11;
	s26 =	simm.s32 $0x17A80;
	s8 =	sadd.s32 s14, s9  }
0x16: {  	s9 =	sadd.s32 s13, s9;
	s13 =	sadd.s32 s31, s13;
	s14 =	sadd.s32 s31, s14  }
.LBB2_1:
0x17: {  	[spmem:s15], [sflag:s6] =	dma.local [hbm:s5], $0x2700  }
0x18: {  	_ =	swait.ge [sflag:s16], $0x2700  }
0x19: {  	[sflag:s16] =	ssyncset.done $0x0  }
0x1a: {  	s29 =	simm.s32 @!p0 $0x2;
	[sflag:s16] =	ssyncadd.s32 $0xFFFFD900  }
0x1b: {  	[spmem:s17], [sflag:s6] =	dma.local @!p0 [hbm:s7], $0x100  }
0x1c: {  	_ =	swait.ge @!p0 [sflag:s29], $0x100  }
0x1d: {  	[sflag:s29] =	ssyncset.done @!p0 $0x0  }
0x1e: {  	[sflag:s29] =	ssyncadd.s32 @!p0 $0xFFFFFF00  }
0x1f: {  	s29 =	sadd.s32 $0x0, s14;
	[bflag:$0x0] =	sbarrier.arrive $0xFFFF  }
0x20: {  	[tilespmem:s18], [sflag:$0x2] =	stream.linear.gather [hbm4b:s29+s3], $0x80, $0x38;
	[tilespmem:$0x18280] =	vst v63  }
0x21: {  	_ =	swait.ge [sflag:s16], $0x80  }
0x22: {  	[sflag:s16] =	ssyncset.done $0x0  }
0x23: {  	s29 =	sadd.s32 $0x0, s13;
	[sflag:s16] =	ssyncadd.s32 $0xFFFFFF80  }
0x24: {  	[tilespmem:s19], [sflag:$0x2] =	stream.linear.gather [hbm4b:s29+s3], $0x80, $0x38;
	[tilespmem:$0x18280] =	vst v63  }
0x25: {  	_ =	swait.ge [sflag:s16], $0x80  }
0x26: {  	[sflag:s16] =	ssyncset.done $0x0  }
0x27: {  	[sflag:s16] =	ssyncadd.s32 $0xFFFFFF80  }
0x28: {  	[tilespmem:s21], [sflag:$0x1] =	stream.indirect.gather [hbm4b:s4+s20], $0x80, s18, s20, $0xb8;
	[tilespmem:$0x18280] =	vst v63  }
0x29: {  	_ =	swait.ge [sflag:s22], $0x4000  }
0x2a: {  	[sflag:s22] =	ssyncset.done $0x0  }
0x2b: {  	[sflag:s22] =	ssyncadd.s32 $0xFFFFC000  }
0x2c: {  	[spmem:s2] =	stream.indirect.scatter.add.f32 [tilespmem:s21], [sflag:$0x2], $0x80, s19, s20, $0xb8;
	[tilespmem:$0x18280] =	vst v63  }
0x2d: {  	_ =	swait.ge [sflag:s16], $0x4000  }
0x2e: {  	s30 =	simm.s32 $0x20;
	s29 =	simm.s32 $0x10;
	[sflag:s16] =	ssyncset.done $0x0  }
.LBB2_2:
0x2f: {  	s31 =	sadd.s32 s29, s14  }
0x30: {  	[sflag:s16] =	ssyncadd.s32 $0xFFFFC000;
	s0 =	smov.u32 s30;
	s1 =	sadd.s32 $0x10, s30  }
0x31: {  	[tilespmem:s18], [sflag:$0x2] =	stream.linear.gather [hbm4b:s31+s3], $0x80, $0x38;
	[tilespmem:$0x18280] =	vst v63  }
0x32: {  	p1 =	sne.s32 s30, $0x4D0;
	_ =	swait.ge [sflag:s16], $0x80  }
0x33: {  	[sflag:s16] =	ssyncset.done $0x0  }
0x34: {  	s30 =	sadd.s32 s29, s13;
	s29 =	smov.u32 s0;
	[sflag:s16] =	ssyncadd.s32 $0xFFFFFF80  }
0x35: {  	[tilespmem:s19], [sflag:$0x2] =	stream.linear.gather [hbm4b:s30+s3], $0x80, $0x38;
	[tilespmem:$0x18280] =	vst v63  }
0x36: {  	_ =	swait.ge [sflag:s16], $0x80  }
0x37: {  	[sflag:s16] =	ssyncset.done $0x0  }
0x38: {  	[sflag:s16] =	ssyncadd.s32 $0xFFFFFF80  }
0x39: {  	[tilespmem:s21], [sflag:$0x1] =	stream.indirect.gather [hbm4b:s4+s20], $0x80, s18, s20, $0xb8;
	[tilespmem:$0x18280] =	vst v63  }
0x3a: {  	_ =	swait.ge [sflag:s22], $0x4000  }
.Ltmp0:
0x3b: {  	[sflag:s22] =	ssyncset.done $0x0;
	(pc) =	sbr.rel @p1 .LBB2_2-.Ltmp0, $4  }
0x3c: {  	[sflag:s22] =	ssyncadd.s32 $0xFFFFC000  }
0x3d: {  	[spmem:s2] =	stream.indirect.scatter.add.f32 [tilespmem:s21], [sflag:$0x2], $0x80, s19, s20, $0xb8;
	[tilespmem:$0x18280] =	vst v63  }
0x3e: {  	_ =	swait.ge [sflag:s16], $0x4000  }
0x3f: {  	s30 =	smov.u32 s1;
	[sflag:s16] =	ssyncset.done $0x0  }
0x40: {  	s0 =	sadd.s32 s29, s14;
	[sflag:s16] =	ssyncadd.s32 $0xFFFFC000  }
0x41: {  	[tilespmem:s18], [sflag:$0x2] =	stream.linear.gather [hbm4b:s0+s3], $0x80, $0x38;
	[tilespmem:$0x18280] =	vst v63  }
0x42: {  	_ =	swait.ge [sflag:s16], $0x80  }
0x43: {  	[sflag:s16] =	ssyncset.done $0x0  }
0x44: {  	s31 =	sadd.s32 s29, s13;
	[sflag:s16] =	ssyncadd.s32 $0xFFFFFF80  }
0x45: {  	[tilespmem:s19], [sflag:$0x2] =	stream.linear.gather [hbm4b:s31+s3], $0x80, $0x38;
	[tilespmem:$0x18280] =	vst v63  }
0x46: {  	_ =	swait.ge [sflag:s16], $0x80  }
0x47: {  	[sflag:s16] =	ssyncset.done $0x0  }
0x48: {  	[sflag:s16] =	ssyncadd.s32 $0xFFFFFF80  }
0x49: {  	[tilespmem:s21], [sflag:$0x1] =	stream.indirect.gather [hbm4b:s4+s20], $0x80, s18, s20, $0xb8;
	[tilespmem:$0x18280] =	vst v63  }
0x4a: {  	_ =	swait.ge [sflag:s22], $0x4000  }
0x4b: {  	[sflag:s22] =	ssyncset.done $0x0  }
0x4c: {  	[sflag:s22] =	ssyncadd.s32 $0xFFFFC000  }
0x4d: {  	[spmem:s2] =	stream.indirect.scatter.add.f32 [tilespmem:s21], [sflag:$0x2], $0x80, s19, s20, $0xb8;
	[tilespmem:$0x18280] =	vst v63  }
0x4e: {  	_ =	swait.ge [sflag:s16], $0x4000  }
0x4f: {  	[sflag:s16] =	ssyncset.done $0x0  }
0x50: {  	[sflag:s16] =	ssyncadd.s32 $0xFFFFC000  }
0x51: {  	[tilespmem:s23], [sflag:$0x2] =	stream.linear.gather [hbm4b:s8+s3], $0x10, $0x38;
	[tilespmem:$0x18280] =	vst v63  }
0x52: {  	_ =	swait.ge [sflag:s16], $0x10  }
0x53: {  	[sflag:s16] =	ssyncset.done $0x0  }
0x54: {  	[sflag:s16] =	ssyncadd.s32 $0xFFFFFFF0  }
0x55: {  	[tilespmem:s24], [sflag:$0x2] =	stream.linear.gather [hbm4b:s9+s3], $0x10, $0x38;
	[tilespmem:$0x18280] =	vst v63  }
0x56: {  	_ =	swait.ge [sflag:s16], $0x10  }
0x57: {  	[sflag:s16] =	ssyncset.done $0x0  }
0x58: {  	[sflag:s16] =	ssyncadd.s32 $0xFFFFFFF0  }
0x59: {  	[tilespmem:s26], [sflag:$0x1] =	stream.indirect.gather [hbm4b:s4+s25], $0x80, s23, s25, $0xb8;
	[tilespmem:$0x18280] =	vst v63  }
0x5a: {  	_ =	swait.ge [sflag:s22], $0x800  }
0x5b: {  	[sflag:s22] =	ssyncset.done $0x0  }
0x5c: {  	[sflag:s22] =	ssyncadd.s32 $0xFFFFF800  }
0x5d: {  	[spmem:s2] =	stream.indirect.scatter.add.f32 [tilespmem:s26], [sflag:$0x2], $0x80, s24, s25, $0xb8;
	[tilespmem:$0x18280] =	vst v63  }
0x5e: {  	_ =	swait.ge [sflag:s16], $0x800  }
0x5f: {  	[sflag:s16] =	ssyncset.done $0x0  }
0x60: {  	[sflag:s16] =	ssyncadd.s32 $0xFFFFF800  }
0x61: {  	[bflag:$0x0] =	sbarrier.arrive $0xFFFF  }
0x62: {  	[hbm:s10], [sflag:s6] =	dma.local [spmem:s15], $0x2700  }
0x63: {  	s28 =	sadd.s32 $0x1, s28;
	_ =	swait.ge [sflag:s16], $0x2700  }
0x64: {  	p1 =	sne.s32 s28, s12;
	[sflag:s16] =	ssyncset.done $0x0  }
.Ltmp1:
0x65: {  	s0 =	simm.s32 @!p0 $0x2;
	[sflag:s16] =	ssyncadd.s32 $0xFFFFD900;
	(pc) =	sbr.rel @p1 .LBB2_1-.Ltmp1, $4  }
0x66: {  	[hbm:s11], [sflag:s6] =	dma.local @!p0 [spmem:s17], $0x100  }
0x67: {  	_ =	swait.ge @!p0 [sflag:s0], $0x100  }
0x68: {  	[sflag:s0] =	ssyncset.done @!p0 $0x0  }
0x69: {  	[sflag:s0] =	ssyncadd.s32 @!p0 $0xFFFFFF00  }
0x6a: {  	_ =	sfence.sel $0x180000  }
0x6b: {  	[bflag:$0x0] =	sbarrier.arrive $0xFFFF  }
0x6c: {  	_ =	strace $0x9000004D  }
0x6d: {  	s0 =	stileid.u32;
	[bflag:$0x2] =	sbarrier.arrive $0xFFFF  }
0x6e: {  	p0 =	sne.s32 s0, $0x0;
	s0 =	rddreg [dreg:$0x4]  }
0x6f: {  	s0 =	sadd.s32 @!p0 $0x100000, s0  }
0x70: {  	[sflag:s0] =	ssyncadd.tile.s32 @!p0 $0x1;
	_ =	shalt  }
.Lfunc_end2:
_tile_overlayer_lowered:
.L_overlay_start_2:
0x71: {  	(tag) =	ssettag $0x2  }
0x72: {  	s0 =	rddreg [dreg:$0x0];
	s2 =	stileid.u32  }
0x73: {  	s1 =	rddreg [dreg:$0x1];
	p0 =	sne.s32 s2, $0x0  }
0x74: {  	s3 =	rddreg [dreg:$0x2];
	[bflag:$0x3] =	sbarrier.arrive $0xFFFF;
	s2 =	simm.s32 @!p0 $0x1C02  }
0x75: {  	[timem:s3], [sflag:s2] =	dma.local @!p0 [hbm:s0], s1  }
0x76: {  	s0 =	simm.s32 @!p0 $0x2  }
0x77: {  	_ =	swait.ge @!p0 [sflag:s0], s1  }
0x78: {  	s1 =	ssub.s32 @!p0 $0x0, s1;
	[sflag:s0] =	ssyncset.done @!p0 $0x0  }
0x79: {  	[sflag:s0] =	ssyncadd.s32 @!p0 s1  }
0x7a: {  	[bflag:$0x3] =	sbarrier.arrive $0xFFFF  }
0x7b: {  	_ =	shalt  }

</sc_bundles>
